<compile_context>
chip_gen: v7x
topology: tpu7x:2x2x1
jax: 0.10.2.dev20260603
libtpu: 0.0.44.dev20260713+nightly
codegen_flags: <defaults>
</compile_context>

<pallas_src>
import functools

import jax
import jax.numpy as jnp
from jax import lax
from jax.experimental import pallas as pl
from jax.experimental.pallas import tpu as pltpu
from jax.experimental.pallas import tpu_sc as plsc

N = 10000
E = 320000
D = 128
DH = D // 2

NC = 2
NS = 16
EPT = E // NS
CHUNK = 80
NCHUNK = EPT // CHUNK
ROWS_PER_TILE = 640
N_PAD = NS * ROWS_PER_TILE


def _make_sc_aggregate(with_deg):
  agg_ty = jax.ShapeDtypeStruct((NC, N_PAD, DH), jnp.float32)
  if with_deg:
    out_type = [agg_ty, jax.ShapeDtypeStruct((N_PAD, 16), jnp.float32)]
  else:
    out_type = agg_ty

  scratch_types = [
      pltpu.VMEM((NCHUNK, CHUNK), jnp.int32),
      pltpu.VMEM((NCHUNK, CHUNK), jnp.int32),
      pltpu.VMEM((CHUNK, DH), jnp.float32),
      pltpu.VMEM((128, DH), jnp.float32),
      pltpu.VMEM_SHARED((N_PAD, DH), jnp.float32),
      pltpu.SemaphoreType.DMA,
  ]
  if with_deg:
    scratch_types += [
        pltpu.VMEM((CHUNK, 16), jnp.float32),
        pltpu.VMEM((128, 16), jnp.float32),
        pltpu.VMEM_SHARED((N_PAD, 16), jnp.float32),
    ]

  mesh = plsc.VectorSubcoreMesh(core_axis_name="c", subcore_axis_name="s")

  @functools.partial(
      pl.kernel, mesh=mesh, out_type=out_type, scratch_types=scratch_types,
      compiler_params=pltpu.CompilerParams(use_tc_tiling_on_sc=False))
  def sc_agg(x_hbm, src_hbm, dst_hbm, *rest):
    if with_deg:
      (agg_out, deg_out, src_v, dst_v, rows_v, zeros_v, agg_sp, sem,
       ones_v, zeros16_v, deg_sp) = rest
    else:
      (agg_out, src_v, dst_v, rows_v, zeros_v, agg_sp, sem) = rest
    cid = lax.axis_index("c")
    sid = lax.axis_index("s")

    def zfill(i, carry):
      z = jnp.zeros((16,), jnp.float32)
      for j in range(DH // 16):
        zeros_v[i, pl.ds(j * 16, 16)] = z
      if with_deg:
        zeros16_v[i, :] = z
      return carry
    lax.fori_loop(0, 128, zfill, 0)
    if with_deg:
      def ofill(i, carry):
        ones_v[i, :] = jnp.full((16,), 1.0, jnp.float32)
        return carry
      lax.fori_loop(0, CHUNK, ofill, 0)

    for k in range(ROWS_PER_TILE // 128):
      rows = pl.ds(sid * ROWS_PER_TILE + k * 128, 128)
      pltpu.sync_copy(zeros_v, agg_sp.at[rows])
      if with_deg:
        @pl.when(cid == 0)
        def _():
          pltpu.sync_copy(zeros16_v, deg_sp.at[rows])
    plsc.subcore_barrier()

    pltpu.sync_copy(src_hbm.at[cid, sid], src_v)
    pltpu.sync_copy(dst_hbm.at[sid], dst_v)

    def chunk_body(c, carry):
      src_row = src_v.at[c]
      dst_row = dst_v.at[c]
      pltpu.async_copy(x_hbm.at[src_row], rows_v, sem).wait()
      pltpu.sync_copy(rows_v, agg_sp.at[dst_row], add=True)
      if with_deg:
        @pl.when(cid == 0)
        def _():
          pltpu.sync_copy(ones_v, deg_sp.at[dst_row], add=True)
      return carry
    lax.fori_loop(0, NCHUNK, chunk_body, 0)

    plsc.subcore_barrier()

    for k in range(ROWS_PER_TILE // 128):
      rows = pl.ds(sid * ROWS_PER_TILE + k * 128, 128)
      pltpu.sync_copy(agg_sp.at[rows], zeros_v)
      pltpu.sync_copy(zeros_v, agg_out.at[cid, rows])
      if with_deg:
        @pl.when(cid == 0)
        def _():
          pltpu.sync_copy(deg_sp.at[rows], zeros16_v)
          pltpu.sync_copy(zeros16_v, deg_out.at[rows])

  return sc_agg


_sc_agg_deg = _make_sc_aggregate(with_deg=True)
_sc_agg = _make_sc_aggregate(with_deg=False)


def _tc_layer(xs, agg, deg, w, b, relu, split_out):
  R = 400
  grid = (N // R,)

  def body(x0_ref, x1_ref, a0_ref, a1_ref, d_ref, wt_ref, wb_ref, b_ref,
           o_ref):
    xv = jnp.concatenate([x0_ref[0], x1_ref[0]], axis=1)
    a = jnp.concatenate([a0_ref[0], a1_ref[0]], axis=1)
    d = d_ref[:, 0:1]
    xn = a / jnp.maximum(d, 1.0)
    h = (jnp.dot(xv, wt_ref[0], preferred_element_type=jnp.float32)
         + jnp.dot(xn, wb_ref[0], preferred_element_type=jnp.float32)
         + b_ref[...])
    if relu:
      h = jnp.maximum(h, 0.0)
    if split_out:
      o_ref[0] = h[:, :DH]
      o_ref[1] = h[:, DH:]
    else:
      o_ref[...] = h

  if split_out:
    out_shape = jax.ShapeDtypeStruct((NC, N, DH), jnp.float32)
    out_specs = pl.BlockSpec((NC, R, DH), lambda i: (0, i, 0))
  else:
    out_shape = jax.ShapeDtypeStruct((N, D), jnp.float32)
    out_specs = pl.BlockSpec((R, D), lambda i: (i, 0))

  return pl.pallas_call(
      body,
      grid=grid,
      in_specs=[
          pl.BlockSpec((1, R, DH), lambda i: (0, i, 0)),
          pl.BlockSpec((1, R, DH), lambda i: (1, i, 0)),
          pl.BlockSpec((1, R, DH), lambda i: (0, i, 0)),
          pl.BlockSpec((1, R, DH), lambda i: (1, i, 0)),
          pl.BlockSpec((R, 16), lambda i: (i, 0)),
          pl.BlockSpec((1, D, D), lambda i: (0, 0, 0)),
          pl.BlockSpec((1, D, D), lambda i: (1, 0, 0)),
          pl.BlockSpec((1, D), lambda i: (0, 0)),
      ],
      out_specs=out_specs,
      out_shape=out_shape,
  )(xs, xs, agg, agg, deg, w, w, b)


@jax.jit
def kernel(X, edge_index, W1, b1, W2, b2):
  src = edge_index[0]
  dst3 = edge_index[1].reshape(NS, NCHUNK, CHUNK)
  src_off = jnp.stack([src, src + N]).reshape(NC, NS, NCHUNK, CHUNK)
  xs = X.reshape(N, NC, DH).transpose(1, 0, 2)
  w1 = W1.reshape(2, D, D)
  w2 = W2.reshape(2, D, D)

  agg1, deg = _sc_agg_deg(xs.reshape(NC * N, DH), src_off, dst3)
  h1s = _tc_layer(xs, agg1, deg, w1, b1.reshape(1, D), relu=True,
                  split_out=True)
  agg2 = _sc_agg(h1s.reshape(NC * N, DH), src_off, dst3)
  H2 = _tc_layer(h1s, agg2, deg, w2, b2.reshape(1, D), relu=False,
                 split_out=False)
  return H2

# --- scband reference (transcript-rebuilt; emitter-appended) ---
"""Pipeline reference for scband-graph-sage-39470749450994 (READ-ONLY COPY).

The authoritative reference and input builder live on the scoring server;
editing this copy changes nothing except your own understanding.
"""

import jax, jax.numpy as jnp
import numpy as np

N = 10000
E = 320000
D = 128


def setup_inputs(seed: int = 0) -> dict:
    key = jax.random.key(seed)
    k1, k2, k3, k4, k5, k6 = jax.random.split(key, 6)
    X = jax.random.normal(k1, (N, D), dtype=jnp.float32)
    edge_index = jax.random.randint(k2, (2, E), 0, N, dtype=jnp.int32)
    s1 = 1.0 / np.sqrt(2 * D)
    s2 = 1.0 / np.sqrt(2 * D)
    W1 = jax.random.uniform(k3, (2 * D, D), dtype=jnp.float32, minval=-s1, maxval=s1)
    b1 = jax.random.uniform(k4, (D,), dtype=jnp.float32, minval=-s1, maxval=s1)
    W2 = jax.random.uniform(k5, (2 * D, D), dtype=jnp.float32, minval=-s2, maxval=s2)
    b2 = jax.random.uniform(k6, (D,), dtype=jnp.float32, minval=-s2, maxval=s2)
    return {"X": X, "edge_index": edge_index, "W1": W1, "b1": b1, "W2": W2, "b2": b2}


def _sage_layer(X, edge_index, W, b, is_last):
    # dhg GraphSAGEConv (aggr='mean'): X_nbr = mean over in-neighbors, concat, linear, relu (if not last)
    src = edge_index[0]
    dst = edge_index[1]
    msgs = jnp.take(X, src, axis=0)                                  # gather: [E, D]
    agg = jax.ops.segment_sum(msgs, dst, num_segments=N)             # scatter-add: [N, D]
    deg = jax.ops.segment_sum(jnp.ones((E,), dtype=X.dtype), dst, num_segments=N)
    X_nbr = agg / jnp.maximum(deg, 1.0)[:, None]
    H = jnp.concatenate([X, X_nbr], axis=1) @ W + b
    if not is_last:
        H = jax.nn.relu(H)
    return H


def reference(X, edge_index, W1, b1, W2, b2):
    H = _sage_layer(X, edge_index, W1, b1, is_last=False)
    H = _sage_layer(H, edge_index, W2, b2, is_last=True)
    return H

if __name__ == "__main__":
    import jax
    _d = setup_inputs()
    print(jax.jit(kernel)(*tuple(_d.values())))

</pallas_src>

<mosaic_0001>
#map = affine_map<(d0, d1) -> (0, 0)>
#map1 = affine_map<(d0, d1) -> (0, 0, 0, 0)>
#map2 = affine_map<(d0, d1) -> (0, 0, 0)>
module attributes {stable_mosaic.version = 14 : i64} {
  func.func @sc_agg(%arg0: i32, %arg1: i32, %arg2: memref<20000x64xf32, #tpu.memory_space<hbm>>, %arg3: memref<2x16x250x80xi32, #tpu.memory_space<hbm>>, %arg4: memref<16x250x80xi32, #tpu.memory_space<hbm>>, %arg5: memref<2x10240x64xf32, #tpu.memory_space<hbm>>, %arg6: memref<10240x16xf32, #tpu.memory_space<hbm>>, %arg7: memref<250x80xi32, #tpu.memory_space<vmem>>, %arg8: memref<250x80xi32, #tpu.memory_space<vmem>>, %arg9: memref<80x64xf32, #tpu.memory_space<vmem>>, %arg10: memref<128x64xf32, #tpu.memory_space<vmem>>, %arg11: memref<10240x64xf32, #tpu.memory_space<vmem_shared>>, %arg12: memref<!tpu.dma_semaphore, #tpu.memory_space<semaphore_mem>>, %arg13: memref<80x16xf32, #tpu.memory_space<vmem>>, %arg14: memref<128x16xf32, #tpu.memory_space<vmem>>, %arg15: memref<10240x16xf32, #tpu.memory_space<vmem_shared>>) attributes {dimension_semantics = [#tpu.dimension_semantics<core_parallel>, #tpu.dimension_semantics<subcore_parallel>], iteration_bounds = array<i64: 2, 16>, scalar_prefetch = 0 : i64, scratch_operands = 9 : i64, tpu.core_type = #tpu.core_type<sc_vector_subcore>, window_params = [{transform_indices = #map}, {transform_indices = #map1}, {transform_indices = #map2}, {transform_indices = #map2}, {transform_indices = #map}]} {
    %scan3A = arith.constant 0 : i32
    %scan3A_0 = arith.constant 0 : i32
    %scan3A_1 = arith.constant 128 : i32
    %scan3A_2 = arith.addi %scan3A_0, %scan3A_1 : i32
    %scan3A_3 = arith.constant 1 : i32
    scf.for %scan3A_103 = %scan3A_0 to %scan3A_2 step %scan3A_3  : i32 {
      %broadcast_in_dim3A = arith.constant 0.000000e+00 : f32
      %broadcast_in_dim3A_104 = vector.broadcast %broadcast_in_dim3A : f32 to vector<16xf32>
      %swap3A = arith.index_cast %scan3A_103 : i32 to index
      %swap3A_105 = arith.constant 0 : index
      %swap3A_106 = tpu.vector_load %arg10[%swap3A, %swap3A_105] {strides = array<i32>} : memref<128x64xf32, #tpu.memory_space<vmem>>, vector<1x16xf32>,
      %swap3A_107 = vector.shape_cast %swap3A_106 : vector<1x16xf32> to vector<16xf32>
      %swap3A_108 = vector.shape_cast %broadcast_in_dim3A_104 : vector<16xf32> to vector<1x16xf32>
      tpu.vector_store %arg10[%swap3A, %swap3A_105], %swap3A_108 {strides = array<i32>} : memref<128x64xf32, #tpu.memory_space<vmem>>, vector<1x16xf32>,
      %swap3A_109 = arith.index_cast %scan3A_103 : i32 to index
      %swap3A_110 = arith.constant 16 : index
      %swap3A_111 = tpu.vector_load %arg10[%swap3A_109, %swap3A_110] {strides = array<i32>} : memref<128x64xf32, #tpu.memory_space<vmem>>, vector<1x16xf32>,
      %swap3A_112 = vector.shape_cast %swap3A_111 : vector<1x16xf32> to vector<16xf32>
      %swap3A_113 = vector.shape_cast %broadcast_in_dim3A_104 : vector<16xf32> to vector<1x16xf32>
      tpu.vector_store %arg10[%swap3A_109, %swap3A_110], %swap3A_113 {strides = array<i32>} : memref<128x64xf32, #tpu.memory_space<vmem>>, vector<1x16xf32>,
      %swap3A_114 = arith.index_cast %scan3A_103 : i32 to index
      %swap3A_115 = arith.constant 32 : index
      %swap3A_116 = tpu.vector_load %arg10[%swap3A_114, %swap3A_115] {strides = array<i32>} : memref<128x64xf32, #tpu.memory_space<vmem>>, vector<1x16xf32>,
      %swap3A_117 = vector.shape_cast %swap3A_116 : vector<1x16xf32> to vector<16xf32>
      %swap3A_118 = vector.shape_cast %broadcast_in_dim3A_104 : vector<16xf32> to vector<1x16xf32>
      tpu.vector_store %arg10[%swap3A_114, %swap3A_115], %swap3A_118 {strides = array<i32>} : memref<128x64xf32, #tpu.memory_space<vmem>>, vector<1x16xf32>,
      %swap3A_119 = arith.index_cast %scan3A_103 : i32 to index
      %swap3A_120 = arith.constant 48 : index
      %swap3A_121 = tpu.vector_load %arg10[%swap3A_119, %swap3A_120] {strides = array<i32>} : memref<128x64xf32, #tpu.memory_space<vmem>>, vector<1x16xf32>,
      %swap3A_122 = vector.shape_cast %swap3A_121 : vector<1x16xf32> to vector<16xf32>
      %swap3A_123 = vector.shape_cast %broadcast_in_dim3A_104 : vector<16xf32> to vector<1x16xf32>
      tpu.vector_store %arg10[%swap3A_119, %swap3A_120], %swap3A_123 {strides = array<i32>} : memref<128x64xf32, #tpu.memory_space<vmem>>, vector<1x16xf32>,
      %swap3A_124 = arith.index_cast %scan3A_103 : i32 to index
      %swap3A_125 = arith.constant 0 : index
      %swap3A_126 = tpu.vector_load %arg14[%swap3A_124, %swap3A_125] {strides = array<i32>} : memref<128x16xf32, #tpu.memory_space<vmem>>, vector<1x16xf32>,
      %swap3A_127 = vector.shape_cast %swap3A_126 : vector<1x16xf32> to vector<16xf32>
      %swap3A_128 = vector.shape_cast %broadcast_in_dim3A_104 : vector<16xf32> to vector<1x16xf32>
      tpu.vector_store %arg14[%swap3A_124, %swap3A_125], %swap3A_128 {strides = array<i32>} : memref<128x16xf32, #tpu.memory_space<vmem>>, vector<1x16xf32>,
    }
    %scan3A_4 = arith.constant 128 : i32
    %scan3A_5 = arith.constant 0 : i32
    %scan3A_6 = arith.constant 0 : i32
    %scan3A_7 = arith.constant 80 : i32
    %scan3A_8 = arith.addi %scan3A_6, %scan3A_7 : i32
    %scan3A_9 = arith.constant 1 : i32
    scf.for %scan3A_103 = %scan3A_6 to %scan3A_8 step %scan3A_9  : i32 {
      %broadcast_in_dim3A = arith.constant 1.000000e+00 : f32
      %broadcast_in_dim3A_104 = vector.broadcast %broadcast_in_dim3A : f32 to vector<16xf32>
      %swap3A = arith.index_cast %scan3A_103 : i32 to index
      %swap3A_105 = arith.constant 0 : index
      %swap3A_106 = tpu.vector_load %arg13[%swap3A, %swap3A_105] {strides = array<i32>} : memref<80x16xf32, #tpu.memory_space<vmem>>, vector<1x16xf32>,
      %swap3A_107 = vector.shape_cast %swap3A_106 : vector<1x16xf32> to vector<16xf32>
      %swap3A_108 = vector.shape_cast %broadcast_in_dim3A_104 : vector<16xf32> to vector<1x16xf32>
      tpu.vector_store %arg13[%swap3A, %swap3A_105], %swap3A_108 {strides = array<i32>} : memref<80x16xf32, #tpu.memory_space<vmem>>, vector<1x16xf32>,
    }
    %scan3A_10 = arith.constant 80 : i32
    %mul3A = arith.constant 640 : i32
    %mul3A_11 = arith.muli %arg1, %mul3A : i32
    %add3A = arith.constant 0 : i32
    %add3A_12 = arith.addi %mul3A_11, %add3A : i32
    "tpu.region"() ({
      %run_scoped3A = tpu.sem_alloc : memref<!tpu.dma_semaphore, #tpu.memory_space<semaphore_mem>>
      %dma_start3A = arith.constant 0 : i32
      %dma_start3A_103 = tpu.memref_slice %arg11[%add3A_12, %dma_start3A] : memref<10240x64xf32, #tpu.memory_space<vmem_shared>> -> memref<128x64xf32, #tpu.memory_space<vmem_shared>>
      %dma_start3A_104 = arith.constant 0 : i32
      %dma_start3A_105 = tpu.memref_slice %arg11[%add3A_12, %dma_start3A_104] : memref<10240x64xf32, #tpu.memory_space<vmem_shared>> -> memref<128x64xf32, #tpu.memory_space<vmem_shared>>
      tpu.enqueue_dma source(%arg10 : memref<128x64xf32, #tpu.memory_space<vmem>>) target(%dma_start3A_105 : memref<128x64xf32, #tpu.memory_space<vmem_shared>>) target_semaphore(%run_scoped3A : memref<!tpu.dma_semaphore, #tpu.memory_space<semaphore_mem>>)
      %dma_wait3A = arith.constant 0 : i32
      %dma_wait3A_106 = tpu.memref_slice %arg11[%add3A_12, %dma_wait3A] : memref<10240x64xf32, #tpu.memory_space<vmem_shared>> -> memref<128x64xf32, #tpu.memory_space<vmem_shared>>
      %dma_wait3A_107 = arith.constant 0 : i32
      %dma_wait3A_108 = tpu.memref_slice %arg11[%add3A_12, %dma_wait3A_107] : memref<10240x64xf32, #tpu.memory_space<vmem_shared>> -> memref<128x64xf32, #tpu.memory_space<vmem_shared>>
      tpu.wait_dma2 semaphore(%run_scoped3A : memref<!tpu.dma_semaphore, #tpu.memory_space<semaphore_mem>>) src(%arg10 : memref<128x64xf32, #tpu.memory_space<vmem>>) dst(%dma_wait3A_108 : memref<128x64xf32, #tpu.memory_space<vmem_shared>>)
      tpu.yield
    }) : () -> ()
    %eq3A = arith.constant 0 : i32
    %eq3A_13 = arith.cmpi eq, %arg0, %eq3A : i32
    %convert_element_type3A = arith.extui %eq3A_13 : i1 to i32
    %cond3A = arith.constant 0 : i32
    %cond3A_14 = arith.cmpi ne, %convert_element_type3A, %cond3A : i32
    scf.if %cond3A_14 {
      "tpu.region"() ({
        %run_scoped3A = tpu.sem_alloc : memref<!tpu.dma_semaphore, #tpu.memory_space<semaphore_mem>>
        %dma_start3A = arith.constant 0 : i32
        %dma_start3A_103 = tpu.memref_slice %arg15[%add3A_12, %dma_start3A] : memref<10240x16xf32, #tpu.memory_space<vmem_shared>> -> memref<128x16xf32, #tpu.memory_space<vmem_shared>>
        %dma_start3A_104 = arith.constant 0 : i32
        %dma_start3A_105 = tpu.memref_slice %arg15[%add3A_12, %dma_start3A_104] : memref<10240x16xf32, #tpu.memory_space<vmem_shared>> -> memref<128x16xf32, #tpu.memory_space<vmem_shared>>
        tpu.enqueue_dma source(%arg14 : memref<128x16xf32, #tpu.memory_space<vmem>>) target(%dma_start3A_105 : memref<128x16xf32, #tpu.memory_space<vmem_shared>>) target_semaphore(%run_scoped3A : memref<!tpu.dma_semaphore, #tpu.memory_space<semaphore_mem>>)
        %dma_wait3A = arith.constant 0 : i32
        %dma_wait3A_106 = tpu.memref_slice %arg15[%add3A_12, %dma_wait3A] : memref<10240x16xf32, #tpu.memory_space<vmem_shared>> -> memref<128x16xf32, #tpu.memory_space<vmem_shared>>
        %dma_wait3A_107 = arith.constant 0 : i32
        %dma_wait3A_108 = tpu.memref_slice %arg15[%add3A_12, %dma_wait3A_107] : memref<10240x16xf32, #tpu.memory_space<vmem_shared>> -> memref<128x16xf32, #tpu.memory_space<vmem_shared>>
        tpu.wait_dma2 semaphore(%run_scoped3A : memref<!tpu.dma_semaphore, #tpu.memory_space<semaphore_mem>>) src(%arg14 : memref<128x16xf32, #tpu.memory_space<vmem>>) dst(%dma_wait3A_108 : memref<128x16xf32, #tpu.memory_space<vmem_shared>>)
        tpu.yield
      }) : () -> ()
    } else {
    }
    %mul3A_15 = arith.constant 640 : i32
    %mul3A_16 = arith.muli %arg1, %mul3A_15 : i32
    %add3A_17 = arith.constant 128 : i32
    %add3A_18 = arith.addi %mul3A_16, %add3A_17 : i32
    "tpu.region"() ({
      %run_scoped3A = tpu.sem_alloc : memref<!tpu.dma_semaphore, #tpu.memory_space<semaphore_mem>>
      %dma_start3A = arith.constant 0 : i32
      %dma_start3A_103 = tpu.memref_slice %arg11[%add3A_18, %dma_start3A] : memref<10240x64xf32, #tpu.memory_space<vmem_shared>> -> memref<128x64xf32, #tpu.memory_space<vmem_shared>>
      %dma_start3A_104 = arith.constant 0 : i32
      %dma_start3A_105 = tpu.memref_slice %arg11[%add3A_18, %dma_start3A_104] : memref<10240x64xf32, #tpu.memory_space<vmem_shared>> -> memref<128x64xf32, #tpu.memory_space<vmem_shared>>
      tpu.enqueue_dma source(%arg10 : memref<128x64xf32, #tpu.memory_space<vmem>>) target(%dma_start3A_105 : memref<128x64xf32, #tpu.memory_space<vmem_shared>>) target_semaphore(%run_scoped3A : memref<!tpu.dma_semaphore, #tpu.memory_space<semaphore_mem>>)
      %dma_wait3A = arith.constant 0 : i32
      %dma_wait3A_106 = tpu.memref_slice %arg11[%add3A_18, %dma_wait3A] : memref<10240x64xf32, #tpu.memory_space<vmem_shared>> -> memref<128x64xf32, #tpu.memory_space<vmem_shared>>
      %dma_wait3A_107 = arith.constant 0 : i32
      %dma_wait3A_108 = tpu.memref_slice %arg11[%add3A_18, %dma_wait3A_107] : memref<10240x64xf32, #tpu.memory_space<vmem_shared>> -> memref<128x64xf32, #tpu.memory_space<vmem_shared>>
      tpu.wait_dma2 semaphore(%run_scoped3A : memref<!tpu.dma_semaphore, #tpu.memory_space<semaphore_mem>>) src(%arg10 : memref<128x64xf32, #tpu.memory_space<vmem>>) dst(%dma_wait3A_108 : memref<128x64xf32, #tpu.memory_space<vmem_shared>>)
      tpu.yield
    }) : () -> ()
    %eq3A_19 = arith.constant 0 : i32
    %eq3A_20 = arith.cmpi eq, %arg0, %eq3A_19 : i32
    %convert_element_type3A_21 = arith.extui %eq3A_20 : i1 to i32
    %cond3A_22 = arith.constant 0 : i32
    %cond3A_23 = arith.cmpi ne, %convert_element_type3A_21, %cond3A_22 : i32
    scf.if %cond3A_23 {
      "tpu.region"() ({
        %run_scoped3A = tpu.sem_alloc : memref<!tpu.dma_semaphore, #tpu.memory_space<semaphore_mem>>
        %dma_start3A = arith.constant 0 : i32
        %dma_start3A_103 = tpu.memref_slice %arg15[%add3A_18, %dma_start3A] : memref<10240x16xf32, #tpu.memory_space<vmem_shared>> -> memref<128x16xf32, #tpu.memory_space<vmem_shared>>
        %dma_start3A_104 = arith.constant 0 : i32
        %dma_start3A_105 = tpu.memref_slice %arg15[%add3A_18, %dma_start3A_104] : memref<10240x16xf32, #tpu.memory_space<vmem_shared>> -> memref<128x16xf32, #tpu.memory_space<vmem_shared>>
        tpu.enqueue_dma source(%arg14 : memref<128x16xf32, #tpu.memory_space<vmem>>) target(%dma_start3A_105 : memref<128x16xf32, #tpu.memory_space<vmem_shared>>) target_semaphore(%run_scoped3A : memref<!tpu.dma_semaphore, #tpu.memory_space<semaphore_mem>>)
        %dma_wait3A = arith.constant 0 : i32
        %dma_wait3A_106 = tpu.memref_slice %arg15[%add3A_18, %dma_wait3A] : memref<10240x16xf32, #tpu.memory_space<vmem_shared>> -> memref<128x16xf32, #tpu.memory_space<vmem_shared>>
        %dma_wait3A_107 = arith.constant 0 : i32
        %dma_wait3A_108 = tpu.memref_slice %arg15[%add3A_18, %dma_wait3A_107] : memref<10240x16xf32, #tpu.memory_space<vmem_shared>> -> memref<128x16xf32, #tpu.memory_space<vmem_shared>>
        tpu.wait_dma2 semaphore(%run_scoped3A : memref<!tpu.dma_semaphore, #tpu.memory_space<semaphore_mem>>) src(%arg14 : memref<128x16xf32, #tpu.memory_space<vmem>>) dst(%dma_wait3A_108 : memref<128x16xf32, #tpu.memory_space<vmem_shared>>)
        tpu.yield
      }) : () -> ()
    } else {
    }
    %mul3A_24 = arith.constant 640 : i32
    %mul3A_25 = arith.muli %arg1, %mul3A_24 : i32
    %add3A_26 = arith.constant 256 : i32
    %add3A_27 = arith.addi %mul3A_25, %add3A_26 : i32
    "tpu.region"() ({
      %run_scoped3A = tpu.sem_alloc : memref<!tpu.dma_semaphore, #tpu.memory_space<semaphore_mem>>
      %dma_start3A = arith.constant 0 : i32
      %dma_start3A_103 = tpu.memref_slice %arg11[%add3A_27, %dma_start3A] : memref<10240x64xf32, #tpu.memory_space<vmem_shared>> -> memref<128x64xf32, #tpu.memory_space<vmem_shared>>
      %dma_start3A_104 = arith.constant 0 : i32
      %dma_start3A_105 = tpu.memref_slice %arg11[%add3A_27, %dma_start3A_104] : memref<10240x64xf32, #tpu.memory_space<vmem_shared>> -> memref<128x64xf32, #tpu.memory_space<vmem_shared>>
      tpu.enqueue_dma source(%arg10 : memref<128x64xf32, #tpu.memory_space<vmem>>) target(%dma_start3A_105 : memref<128x64xf32, #tpu.memory_space<vmem_shared>>) target_semaphore(%run_scoped3A : memref<!tpu.dma_semaphore, #tpu.memory_space<semaphore_mem>>)
      %dma_wait3A = arith.constant 0 : i32
      %dma_wait3A_106 = tpu.memref_slice %arg11[%add3A_27, %dma_wait3A] : memref<10240x64xf32, #tpu.memory_space<vmem_shared>> -> memref<128x64xf32, #tpu.memory_space<vmem_shared>>
      %dma_wait3A_107 = arith.constant 0 : i32
      %dma_wait3A_108 = tpu.memref_slice %arg11[%add3A_27, %dma_wait3A_107] : memref<10240x64xf32, #tpu.memory_space<vmem_shared>> -> memref<128x64xf32, #tpu.memory_space<vmem_shared>>
      tpu.wait_dma2 semaphore(%run_scoped3A : memref<!tpu.dma_semaphore, #tpu.memory_space<semaphore_mem>>) src(%arg10 : memref<128x64xf32, #tpu.memory_space<vmem>>) dst(%dma_wait3A_108 : memref<128x64xf32, #tpu.memory_space<vmem_shared>>)
      tpu.yield
    }) : () -> ()
    %eq3A_28 = arith.constant 0 : i32
    %eq3A_29 = arith.cmpi eq, %arg0, %eq3A_28 : i32
    %convert_element_type3A_30 = arith.extui %eq3A_29 : i1 to i32
    %cond3A_31 = arith.constant 0 : i32
    %cond3A_32 = arith.cmpi ne, %convert_element_type3A_30, %cond3A_31 : i32
    scf.if %cond3A_32 {
      "tpu.region"() ({
        %run_scoped3A = tpu.sem_alloc : memref<!tpu.dma_semaphore, #tpu.memory_space<semaphore_mem>>
        %dma_start3A = arith.constant 0 : i32
        %dma_start3A_103 = tpu.memref_slice %arg15[%add3A_27, %dma_start3A] : memref<10240x16xf32, #tpu.memory_space<vmem_shared>> -> memref<128x16xf32, #tpu.memory_space<vmem_shared>>
        %dma_start3A_104 = arith.constant 0 : i32
        %dma_start3A_105 = tpu.memref_slice %arg15[%add3A_27, %dma_start3A_104] : memref<10240x16xf32, #tpu.memory_space<vmem_shared>> -> memref<128x16xf32, #tpu.memory_space<vmem_shared>>
        tpu.enqueue_dma source(%arg14 : memref<128x16xf32, #tpu.memory_space<vmem>>) target(%dma_start3A_105 : memref<128x16xf32, #tpu.memory_space<vmem_shared>>) target_semaphore(%run_scoped3A : memref<!tpu.dma_semaphore, #tpu.memory_space<semaphore_mem>>)
        %dma_wait3A = arith.constant 0 : i32
        %dma_wait3A_106 = tpu.memref_slice %arg15[%add3A_27, %dma_wait3A] : memref<10240x16xf32, #tpu.memory_space<vmem_shared>> -> memref<128x16xf32, #tpu.memory_space<vmem_shared>>
        %dma_wait3A_107 = arith.constant 0 : i32
        %dma_wait3A_108 = tpu.memref_slice %arg15[%add3A_27, %dma_wait3A_107] : memref<10240x16xf32, #tpu.memory_space<vmem_shared>> -> memref<128x16xf32, #tpu.memory_space<vmem_shared>>
        tpu.wait_dma2 semaphore(%run_scoped3A : memref<!tpu.dma_semaphore, #tpu.memory_space<semaphore_mem>>) src(%arg14 : memref<128x16xf32, #tpu.memory_space<vmem>>) dst(%dma_wait3A_108 : memref<128x16xf32, #tpu.memory_space<vmem_shared>>)
        tpu.yield
      }) : () -> ()
    } else {
    }
    %mul3A_33 = arith.constant 640 : i32
    %mul3A_34 = arith.muli %arg1, %mul3A_33 : i32
    %add3A_35 = arith.constant 384 : i32
    %add3A_36 = arith.addi %mul3A_34, %add3A_35 : i32
    "tpu.region"() ({
      %run_scoped3A = tpu.sem_alloc : memref<!tpu.dma_semaphore, #tpu.memory_space<semaphore_mem>>
      %dma_start3A = arith.constant 0 : i32
      %dma_start3A_103 = tpu.memref_slice %arg11[%add3A_36, %dma_start3A] : memref<10240x64xf32, #tpu.memory_space<vmem_shared>> -> memref<128x64xf32, #tpu.memory_space<vmem_shared>>
      %dma_start3A_104 = arith.constant 0 : i32
      %dma_start3A_105 = tpu.memref_slice %arg11[%add3A_36, %dma_start3A_104] : memref<10240x64xf32, #tpu.memory_space<vmem_shared>> -> memref<128x64xf32, #tpu.memory_space<vmem_shared>>
      tpu.enqueue_dma source(%arg10 : memref<128x64xf32, #tpu.memory_space<vmem>>) target(%dma_start3A_105 : memref<128x64xf32, #tpu.memory_space<vmem_shared>>) target_semaphore(%run_scoped3A : memref<!tpu.dma_semaphore, #tpu.memory_space<semaphore_mem>>)
      %dma_wait3A = arith.constant 0 : i32
      %dma_wait3A_106 = tpu.memref_slice %arg11[%add3A_36, %dma_wait3A] : memref<10240x64xf32, #tpu.memory_space<vmem_shared>> -> memref<128x64xf32, #tpu.memory_space<vmem_shared>>
      %dma_wait3A_107 = arith.constant 0 : i32
      %dma_wait3A_108 = tpu.memref_slice %arg11[%add3A_36, %dma_wait3A_107] : memref<10240x64xf32, #tpu.memory_space<vmem_shared>> -> memref<128x64xf32, #tpu.memory_space<vmem_shared>>
      tpu.wait_dma2 semaphore(%run_scoped3A : memref<!tpu.dma_semaphore, #tpu.memory_space<semaphore_mem>>) src(%arg10 : memref<128x64xf32, #tpu.memory_space<vmem>>) dst(%dma_wait3A_108 : memref<128x64xf32, #tpu.memory_space<vmem_shared>>)
      tpu.yield
    }) : () -> ()
    %eq3A_37 = arith.constant 0 : i32
    %eq3A_38 = arith.cmpi eq, %arg0, %eq3A_37 : i32
    %convert_element_type3A_39 = arith.extui %eq3A_38 : i1 to i32
    %cond3A_40 = arith.constant 0 : i32
    %cond3A_41 = arith.cmpi ne, %convert_element_type3A_39, %cond3A_40 : i32
    scf.if %cond3A_41 {
      "tpu.region"() ({
        %run_scoped3A = tpu.sem_alloc : memref<!tpu.dma_semaphore, #tpu.memory_space<semaphore_mem>>
        %dma_start3A = arith.constant 0 : i32
        %dma_start3A_103 = tpu.memref_slice %arg15[%add3A_36, %dma_start3A] : memref<10240x16xf32, #tpu.memory_space<vmem_shared>> -> memref<128x16xf32, #tpu.memory_space<vmem_shared>>
        %dma_start3A_104 = arith.constant 0 : i32
        %dma_start3A_105 = tpu.memref_slice %arg15[%add3A_36, %dma_start3A_104] : memref<10240x16xf32, #tpu.memory_space<vmem_shared>> -> memref<128x16xf32, #tpu.memory_space<vmem_shared>>
        tpu.enqueue_dma source(%arg14 : memref<128x16xf32, #tpu.memory_space<vmem>>) target(%dma_start3A_105 : memref<128x16xf32, #tpu.memory_space<vmem_shared>>) target_semaphore(%run_scoped3A : memref<!tpu.dma_semaphore, #tpu.memory_space<semaphore_mem>>)
        %dma_wait3A = arith.constant 0 : i32
        %dma_wait3A_106 = tpu.memref_slice %arg15[%add3A_36, %dma_wait3A] : memref<10240x16xf32, #tpu.memory_space<vmem_shared>> -> memref<128x16xf32, #tpu.memory_space<vmem_shared>>
        %dma_wait3A_107 = arith.constant 0 : i32
        %dma_wait3A_108 = tpu.memref_slice %arg15[%add3A_36, %dma_wait3A_107] : memref<10240x16xf32, #tpu.memory_space<vmem_shared>> -> memref<128x16xf32, #tpu.memory_space<vmem_shared>>
        tpu.wait_dma2 semaphore(%run_scoped3A : memref<!tpu.dma_semaphore, #tpu.memory_space<semaphore_mem>>) src(%arg14 : memref<128x16xf32, #tpu.memory_space<vmem>>) dst(%dma_wait3A_108 : memref<128x16xf32, #tpu.memory_space<vmem_shared>>)
        tpu.yield
      }) : () -> ()
    } else {
    }
    %mul3A_42 = arith.constant 640 : i32
    %mul3A_43 = arith.muli %arg1, %mul3A_42 : i32
    %add3A_44 = arith.constant 512 : i32
    %add3A_45 = arith.addi %mul3A_43, %add3A_44 : i32
    "tpu.region"() ({
      %run_scoped3A = tpu.sem_alloc : memref<!tpu.dma_semaphore, #tpu.memory_space<semaphore_mem>>
      %dma_start3A = arith.constant 0 : i32
      %dma_start3A_103 = tpu.memref_slice %arg11[%add3A_45, %dma_start3A] : memref<10240x64xf32, #tpu.memory_space<vmem_shared>> -> memref<128x64xf32, #tpu.memory_space<vmem_shared>>
      %dma_start3A_104 = arith.constant 0 : i32
      %dma_start3A_105 = tpu.memref_slice %arg11[%add3A_45, %dma_start3A_104] : memref<10240x64xf32, #tpu.memory_space<vmem_shared>> -> memref<128x64xf32, #tpu.memory_space<vmem_shared>>
      tpu.enqueue_dma source(%arg10 : memref<128x64xf32, #tpu.memory_space<vmem>>) target(%dma_start3A_105 : memref<128x64xf32, #tpu.memory_space<vmem_shared>>) target_semaphore(%run_scoped3A : memref<!tpu.dma_semaphore, #tpu.memory_space<semaphore_mem>>)
      %dma_wait3A = arith.constant 0 : i32
      %dma_wait3A_106 = tpu.memref_slice %arg11[%add3A_45, %dma_wait3A] : memref<10240x64xf32, #tpu.memory_space<vmem_shared>> -> memref<128x64xf32, #tpu.memory_space<vmem_shared>>
      %dma_wait3A_107 = arith.constant 0 : i32
      %dma_wait3A_108 = tpu.memref_slice %arg11[%add3A_45, %dma_wait3A_107] : memref<10240x64xf32, #tpu.memory_space<vmem_shared>> -> memref<128x64xf32, #tpu.memory_space<vmem_shared>>
      tpu.wait_dma2 semaphore(%run_scoped3A : memref<!tpu.dma_semaphore, #tpu.memory_space<semaphore_mem>>) src(%arg10 : memref<128x64xf32, #tpu.memory_space<vmem>>) dst(%dma_wait3A_108 : memref<128x64xf32, #tpu.memory_space<vmem_shared>>)
      tpu.yield
    }) : () -> ()
    %eq3A_46 = arith.constant 0 : i32
    %eq3A_47 = arith.cmpi eq, %arg0, %eq3A_46 : i32
    %convert_element_type3A_48 = arith.extui %eq3A_47 : i1 to i32
    %cond3A_49 = arith.constant 0 : i32
    %cond3A_50 = arith.cmpi ne, %convert_element_type3A_48, %cond3A_49 : i32
    scf.if %cond3A_50 {
      "tpu.region"() ({
        %run_scoped3A = tpu.sem_alloc : memref<!tpu.dma_semaphore, #tpu.memory_space<semaphore_mem>>
        %dma_start3A = arith.constant 0 : i32
        %dma_start3A_103 = tpu.memref_slice %arg15[%add3A_45, %dma_start3A] : memref<10240x16xf32, #tpu.memory_space<vmem_shared>> -> memref<128x16xf32, #tpu.memory_space<vmem_shared>>
        %dma_start3A_104 = arith.constant 0 : i32
        %dma_start3A_105 = tpu.memref_slice %arg15[%add3A_45, %dma_start3A_104] : memref<10240x16xf32, #tpu.memory_space<vmem_shared>> -> memref<128x16xf32, #tpu.memory_space<vmem_shared>>
        tpu.enqueue_dma source(%arg14 : memref<128x16xf32, #tpu.memory_space<vmem>>) target(%dma_start3A_105 : memref<128x16xf32, #tpu.memory_space<vmem_shared>>) target_semaphore(%run_scoped3A : memref<!tpu.dma_semaphore, #tpu.memory_space<semaphore_mem>>)
        %dma_wait3A = arith.constant 0 : i32
        %dma_wait3A_106 = tpu.memref_slice %arg15[%add3A_45, %dma_wait3A] : memref<10240x16xf32, #tpu.memory_space<vmem_shared>> -> memref<128x16xf32, #tpu.memory_space<vmem_shared>>
        %dma_wait3A_107 = arith.constant 0 : i32
        %dma_wait3A_108 = tpu.memref_slice %arg15[%add3A_45, %dma_wait3A_107] : memref<10240x16xf32, #tpu.memory_space<vmem_shared>> -> memref<128x16xf32, #tpu.memory_space<vmem_shared>>
        tpu.wait_dma2 semaphore(%run_scoped3A : memref<!tpu.dma_semaphore, #tpu.memory_space<semaphore_mem>>) src(%arg14 : memref<128x16xf32, #tpu.memory_space<vmem>>) dst(%dma_wait3A_108 : memref<128x16xf32, #tpu.memory_space<vmem_shared>>)
        tpu.yield
      }) : () -> ()
    } else {
    }
    %barrier3A = arith.constant 0 : index
    tpu.barrier barrier_id(%barrier3A)
    "tpu.region"() ({
      %run_scoped3A = tpu.sem_alloc : memref<!tpu.dma_semaphore, #tpu.memory_space<semaphore_mem>>
      %dma_start3A = arith.constant 0 : i32
      %dma_start3A_103 = arith.constant 0 : i32
      %dma_start3A_104 = tpu.memref_slice %arg3[%arg0, %arg1, %dma_start3A, %dma_start3A_103] : memref<2x16x250x80xi32, #tpu.memory_space<hbm>> -> memref<1x1x250x80xi32, #tpu.memory_space<hbm>>
      %dma_start3A_105 = tpu.memref_squeeze %dma_start3A_104 : memref<1x1x250x80xi32, #tpu.memory_space<hbm>> -> memref<250x80xi32, #tpu.memory_space<hbm>>
      %dma_start3A_106 = arith.constant 0 : i32
      %dma_start3A_107 = arith.constant 0 : i32
      %dma_start3A_108 = tpu.memref_slice %arg3[%arg0, %arg1, %dma_start3A_106, %dma_start3A_107] : memref<2x16x250x80xi32, #tpu.memory_space<hbm>> -> memref<1x1x250x80xi32, #tpu.memory_space<hbm>>
      %dma_start3A_109 = tpu.memref_squeeze %dma_start3A_108 : memref<1x1x250x80xi32, #tpu.memory_space<hbm>> -> memref<250x80xi32, #tpu.memory_space<hbm>>
      tpu.enqueue_dma source(%dma_start3A_109 : memref<250x80xi32, #tpu.memory_space<hbm>>) target(%arg7 : memref<250x80xi32, #tpu.memory_space<vmem>>) target_semaphore(%run_scoped3A : memref<!tpu.dma_semaphore, #tpu.memory_space<semaphore_mem>>)
      %dma_wait3A = arith.constant 0 : i32
      %dma_wait3A_110 = arith.constant 0 : i32
      %dma_wait3A_111 = tpu.memref_slice %arg3[%arg0, %arg1, %dma_wait3A, %dma_wait3A_110] : memref<2x16x250x80xi32, #tpu.memory_space<hbm>> -> memref<1x1x250x80xi32, #tpu.memory_space<hbm>>
      %dma_wait3A_112 = tpu.memref_squeeze %dma_wait3A_111 : memref<1x1x250x80xi32, #tpu.memory_space<hbm>> -> memref<250x80xi32, #tpu.memory_space<hbm>>
      %dma_wait3A_113 = arith.constant 0 : i32
      %dma_wait3A_114 = arith.constant 0 : i32
      %dma_wait3A_115 = tpu.memref_slice %arg3[%arg0, %arg1, %dma_wait3A_113, %dma_wait3A_114] : memref<2x16x250x80xi32, #tpu.memory_space<hbm>> -> memref<1x1x250x80xi32, #tpu.memory_space<hbm>>
      %dma_wait3A_116 = tpu.memref_squeeze %dma_wait3A_115 : memref<1x1x250x80xi32, #tpu.memory_space<hbm>> -> memref<250x80xi32, #tpu.memory_space<hbm>>
      tpu.wait_dma2 semaphore(%run_scoped3A : memref<!tpu.dma_semaphore, #tpu.memory_space<semaphore_mem>>) src(%dma_wait3A_116 : memref<250x80xi32, #tpu.memory_space<hbm>>) dst(%arg7 : memref<250x80xi32, #tpu.memory_space<vmem>>)
      tpu.yield
    }) : () -> ()
    "tpu.region"() ({
      %run_scoped3A = tpu.sem_alloc : memref<!tpu.dma_semaphore, #tpu.memory_space<semaphore_mem>>
      %dma_start3A = arith.constant 0 : i32
      %dma_start3A_103 = arith.constant 0 : i32
      %dma_start3A_104 = tpu.memref_slice %arg4[%arg1, %dma_start3A, %dma_start3A_103] : memref<16x250x80xi32, #tpu.memory_space<hbm>> -> memref<1x250x80xi32, #tpu.memory_space<hbm>>
      %dma_start3A_105 = tpu.memref_squeeze %dma_start3A_104 : memref<1x250x80xi32, #tpu.memory_space<hbm>> -> memref<250x80xi32, #tpu.memory_space<hbm>>
      %dma_start3A_106 = arith.constant 0 : i32
      %dma_start3A_107 = arith.constant 0 : i32
      %dma_start3A_108 = tpu.memref_slice %arg4[%arg1, %dma_start3A_106, %dma_start3A_107] : memref<16x250x80xi32, #tpu.memory_space<hbm>> -> memref<1x250x80xi32, #tpu.memory_space<hbm>>
      %dma_start3A_109 = tpu.memref_squeeze %dma_start3A_108 : memref<1x250x80xi32, #tpu.memory_space<hbm>> -> memref<250x80xi32, #tpu.memory_space<hbm>>
      tpu.enqueue_dma source(%dma_start3A_109 : memref<250x80xi32, #tpu.memory_space<hbm>>) target(%arg8 : memref<250x80xi32, #tpu.memory_space<vmem>>) target_semaphore(%run_scoped3A : memref<!tpu.dma_semaphore, #tpu.memory_space<semaphore_mem>>)
      %dma_wait3A = arith.constant 0 : i32
      %dma_wait3A_110 = arith.constant 0 : i32
      %dma_wait3A_111 = tpu.memref_slice %arg4[%arg1, %dma_wait3A, %dma_wait3A_110] : memref<16x250x80xi32, #tpu.memory_space<hbm>> -> memref<1x250x80xi32, #tpu.memory_space<hbm>>
      %dma_wait3A_112 = tpu.memref_squeeze %dma_wait3A_111 : memref<1x250x80xi32, #tpu.memory_space<hbm>> -> memref<250x80xi32, #tpu.memory_space<hbm>>
      %dma_wait3A_113 = arith.constant 0 : i32
      %dma_wait3A_114 = arith.constant 0 : i32
      %dma_wait3A_115 = tpu.memref_slice %arg4[%arg1, %dma_wait3A_113, %dma_wait3A_114] : memref<16x250x80xi32, #tpu.memory_space<hbm>> -> memref<1x250x80xi32, #tpu.memory_space<hbm>>
      %dma_wait3A_116 = tpu.memref_squeeze %dma_wait3A_115 : memref<1x250x80xi32, #tpu.memory_space<hbm>> -> memref<250x80xi32, #tpu.memory_space<hbm>>
      tpu.wait_dma2 semaphore(%run_scoped3A : memref<!tpu.dma_semaphore, #tpu.memory_space<semaphore_mem>>) src(%dma_wait3A_116 : memref<250x80xi32, #tpu.memory_space<hbm>>) dst(%arg8 : memref<250x80xi32, #tpu.memory_space<vmem>>)
      tpu.yield
    }) : () -> ()
    %scan3A_51 = arith.constant 0 : i32
    %scan3A_52 = arith.constant 0 : i32
    %scan3A_53 = arith.constant 250 : i32
    %scan3A_54 = arith.addi %scan3A_52, %scan3A_53 : i32
    %scan3A_55 = arith.constant 1 : i32
    scf.for %scan3A_103 = %scan3A_52 to %scan3A_54 step %scan3A_55  : i32 {
      %dma_start3A = arith.constant 0 : i32
      %dma_start3A_104 = tpu.memref_slice %arg7[%scan3A_103, %dma_start3A] : memref<250x80xi32, #tpu.memory_space<vmem>> -> memref<1x80xi32, #tpu.memory_space<vmem>>
      %dma_start3A_105 = tpu.memref_squeeze %dma_start3A_104 : memref<1x80xi32, #tpu.memory_space<vmem>> -> memref<80xi32, #tpu.memory_space<vmem>>
      %dma_start3A_106 = arith.constant 0 : i32
      %dma_start3A_107 = arith.constant 0 : i32
      %dma_start3A_108 = tpu.memref_slice %arg2[%dma_start3A_106, %dma_start3A_107] : memref<20000x64xf32, #tpu.memory_space<hbm>> -> memref<20000x64xf32, #tpu.memory_space<hbm>>
      tpu.enqueue_indirect_dma source(%dma_start3A_108 : memref<20000x64xf32, #tpu.memory_space<hbm>>) target(%arg9 : memref<80x64xf32, #tpu.memory_space<vmem>>) offsets(%dma_start3A_105 : memref<80xi32, #tpu.memory_space<vmem>>) semaphore(%arg12 : memref<!tpu.dma_semaphore, #tpu.memory_space<semaphore_mem>>)
      %dma_wait3A = arith.constant 0 : i32
      %dma_wait3A_109 = tpu.memref_slice %arg7[%scan3A_103, %dma_wait3A] : memref<250x80xi32, #tpu.memory_space<vmem>> -> memref<1x80xi32, #tpu.memory_space<vmem>>
      %dma_wait3A_110 = tpu.memref_squeeze %dma_wait3A_109 : memref<1x80xi32, #tpu.memory_space<vmem>> -> memref<80xi32, #tpu.memory_space<vmem>>
      %dma_wait3A_111 = arith.constant 0 : i32
      %dma_wait3A_112 = arith.constant 0 : i32
      %dma_wait3A_113 = tpu.memref_slice %arg2[%dma_wait3A_111, %dma_wait3A_112] : memref<20000x64xf32, #tpu.memory_space<hbm>> -> memref<20000x64xf32, #tpu.memory_space<hbm>>
      tpu.wait_indirect_dma semaphore(%arg12 : memref<!tpu.dma_semaphore, #tpu.memory_space<semaphore_mem>>) src(%dma_wait3A_113 : memref<20000x64xf32, #tpu.memory_space<hbm>>) dst(%arg9 : memref<80x64xf32, #tpu.memory_space<vmem>>)
      "tpu.region"() ({
        %run_scoped3A = tpu.sem_alloc : memref<!tpu.dma_semaphore, #tpu.memory_space<semaphore_mem>>
        %dma_start3A_119 = arith.constant 0 : i32
        %dma_start3A_120 = tpu.memref_slice %arg8[%scan3A_103, %dma_start3A_119] : memref<250x80xi32, #tpu.memory_space<vmem>> -> memref<1x80xi32, #tpu.memory_space<vmem>>
        %dma_start3A_121 = tpu.memref_squeeze %dma_start3A_120 : memref<1x80xi32, #tpu.memory_space<vmem>> -> memref<80xi32, #tpu.memory_space<vmem>>
        %dma_start3A_122 = arith.constant 0 : i32
        %dma_start3A_123 = arith.constant 0 : i32
        %dma_start3A_124 = tpu.memref_slice %arg11[%dma_start3A_122, %dma_start3A_123] : memref<10240x64xf32, #tpu.memory_space<vmem_shared>> -> memref<10240x64xf32, #tpu.memory_space<vmem_shared>>
        tpu.enqueue_indirect_dma source(%arg9 : memref<80x64xf32, #tpu.memory_space<vmem>>) target(%dma_start3A_124 : memref<10240x64xf32, #tpu.memory_space<vmem_shared>>) offsets(%dma_start3A_121 : memref<80xi32, #tpu.memory_space<vmem>>) semaphore(%run_scoped3A : memref<!tpu.dma_semaphore, #tpu.memory_space<semaphore_mem>>) {add = true}
        %dma_wait3A_125 = arith.constant 0 : i32
        %dma_wait3A_126 = tpu.memref_slice %arg8[%scan3A_103, %dma_wait3A_125] : memref<250x80xi32, #tpu.memory_space<vmem>> -> memref<1x80xi32, #tpu.memory_space<vmem>>
        %dma_wait3A_127 = tpu.memref_squeeze %dma_wait3A_126 : memref<1x80xi32, #tpu.memory_space<vmem>> -> memref<80xi32, #tpu.memory_space<vmem>>
        %dma_wait3A_128 = arith.constant 0 : i32
        %dma_wait3A_129 = arith.constant 0 : i32
        %dma_wait3A_130 = tpu.memref_slice %arg11[%dma_wait3A_128, %dma_wait3A_129] : memref<10240x64xf32, #tpu.memory_space<vmem_shared>> -> memref<10240x64xf32, #tpu.memory_space<vmem_shared>>
        tpu.wait_indirect_dma semaphore(%run_scoped3A : memref<!tpu.dma_semaphore, #tpu.memory_space<semaphore_mem>>) src(%arg9 : memref<80x64xf32, #tpu.memory_space<vmem>>) dst(%dma_wait3A_130 : memref<10240x64xf32, #tpu.memory_space<vmem_shared>>)
        tpu.yield
      }) : () -> ()
      %eq3A_114 = arith.constant 0 : i32
      %eq3A_115 = arith.cmpi eq, %arg0, %eq3A_114 : i32
      %convert_element_type3A_116 = arith.extui %eq3A_115 : i1 to i32
      %cond3A_117 = arith.constant 0 : i32
      %cond3A_118 = arith.cmpi ne, %convert_element_type3A_116, %cond3A_117 : i32
      scf.if %cond3A_118 {
        "tpu.region"() ({
          %run_scoped3A = tpu.sem_alloc : memref<!tpu.dma_semaphore, #tpu.memory_space<semaphore_mem>>
          %dma_start3A_119 = arith.constant 0 : i32
          %dma_start3A_120 = tpu.memref_slice %arg8[%scan3A_103, %dma_start3A_119] : memref<250x80xi32, #tpu.memory_space<vmem>> -> memref<1x80xi32, #tpu.memory_space<vmem>>
          %dma_start3A_121 = tpu.memref_squeeze %dma_start3A_120 : memref<1x80xi32, #tpu.memory_space<vmem>> -> memref<80xi32, #tpu.memory_space<vmem>>
          %dma_start3A_122 = arith.constant 0 : i32
          %dma_start3A_123 = arith.constant 0 : i32
          %dma_start3A_124 = tpu.memref_slice %arg15[%dma_start3A_122, %dma_start3A_123] : memref<10240x16xf32, #tpu.memory_space<vmem_shared>> -> memref<10240x16xf32, #tpu.memory_space<vmem_shared>>
          tpu.enqueue_indirect_dma source(%arg13 : memref<80x16xf32, #tpu.memory_space<vmem>>) target(%dma_start3A_124 : memref<10240x16xf32, #tpu.memory_space<vmem_shared>>) offsets(%dma_start3A_121 : memref<80xi32, #tpu.memory_space<vmem>>) semaphore(%run_scoped3A : memref<!tpu.dma_semaphore, #tpu.memory_space<semaphore_mem>>) {add = true}
          %dma_wait3A_125 = arith.constant 0 : i32
          %dma_wait3A_126 = tpu.memref_slice %arg8[%scan3A_103, %dma_wait3A_125] : memref<250x80xi32, #tpu.memory_space<vmem>> -> memref<1x80xi32, #tpu.memory_space<vmem>>
          %dma_wait3A_127 = tpu.memref_squeeze %dma_wait3A_126 : memref<1x80xi32, #tpu.memory_space<vmem>> -> memref<80xi32, #tpu.memory_space<vmem>>
          %dma_wait3A_128 = arith.constant 0 : i32
          %dma_wait3A_129 = arith.constant 0 : i32
          %dma_wait3A_130 = tpu.memref_slice %arg15[%dma_wait3A_128, %dma_wait3A_129] : memref<10240x16xf32, #tpu.memory_space<vmem_shared>> -> memref<10240x16xf32, #tpu.memory_space<vmem_shared>>
          tpu.wait_indirect_dma semaphore(%run_scoped3A : memref<!tpu.dma_semaphore, #tpu.memory_space<semaphore_mem>>) src(%arg13 : memref<80x16xf32, #tpu.memory_space<vmem>>) dst(%dma_wait3A_130 : memref<10240x16xf32, #tpu.memory_space<vmem_shared>>)
          tpu.yield
        }) : () -> ()
      } else {
      }
    }
    %scan3A_56 = arith.constant 250 : i32
    %barrier3A_57 = arith.constant 0 : index
    tpu.barrier barrier_id(%barrier3A_57)
    %mul3A_58 = arith.constant 640 : i32
    %mul3A_59 = arith.muli %arg1, %mul3A_58 : i32
    %add3A_60 = arith.constant 0 : i32
    %add3A_61 = arith.addi %mul3A_59, %add3A_60 : i32
    "tpu.region"() ({
      %run_scoped3A = tpu.sem_alloc : memref<!tpu.dma_semaphore, #tpu.memory_space<semaphore_mem>>
      %dma_start3A = arith.constant 0 : i32
      %dma_start3A_103 = tpu.memref_slice %arg11[%add3A_61, %dma_start3A] : memref<10240x64xf32, #tpu.memory_space<vmem_shared>> -> memref<128x64xf32, #tpu.memory_space<vmem_shared>>
      %dma_start3A_104 = arith.constant 0 : i32
      %dma_start3A_105 = tpu.memref_slice %arg11[%add3A_61, %dma_start3A_104] : memref<10240x64xf32, #tpu.memory_space<vmem_shared>> -> memref<128x64xf32, #tpu.memory_space<vmem_shared>>
      tpu.enqueue_dma source(%dma_start3A_105 : memref<128x64xf32, #tpu.memory_space<vmem_shared>>) target(%arg10 : memref<128x64xf32, #tpu.memory_space<vmem>>) target_semaphore(%run_scoped3A : memref<!tpu.dma_semaphore, #tpu.memory_space<semaphore_mem>>)
      %dma_wait3A = arith.constant 0 : i32
      %dma_wait3A_106 = tpu.memref_slice %arg11[%add3A_61, %dma_wait3A] : memref<10240x64xf32, #tpu.memory_space<vmem_shared>> -> memref<128x64xf32, #tpu.memory_space<vmem_shared>>
      %dma_wait3A_107 = arith.constant 0 : i32
      %dma_wait3A_108 = tpu.memref_slice %arg11[%add3A_61, %dma_wait3A_107] : memref<10240x64xf32, #tpu.memory_space<vmem_shared>> -> memref<128x64xf32, #tpu.memory_space<vmem_shared>>
      tpu.wait_dma2 semaphore(%run_scoped3A : memref<!tpu.dma_semaphore, #tpu.memory_space<semaphore_mem>>) src(%dma_wait3A_108 : memref<128x64xf32, #tpu.memory_space<vmem_shared>>) dst(%arg10 : memref<128x64xf32, #tpu.memory_space<vmem>>)
      tpu.yield
    }) : () -> ()
    "tpu.region"() ({
      %run_scoped3A = tpu.sem_alloc : memref<!tpu.dma_semaphore, #tpu.memory_space<semaphore_mem>>
      %dma_start3A = arith.constant 0 : i32
      %dma_start3A_103 = tpu.memref_slice %arg5[%arg0, %add3A_61, %dma_start3A] : memref<2x10240x64xf32, #tpu.memory_space<hbm>> -> memref<1x128x64xf32, #tpu.memory_space<hbm>>
      %dma_start3A_104 = tpu.memref_squeeze %dma_start3A_103 : memref<1x128x64xf32, #tpu.memory_space<hbm>> -> memref<128x64xf32, #tpu.memory_space<hbm>>
      %dma_start3A_105 = arith.constant 0 : i32
      %dma_start3A_106 = tpu.memref_slice %arg5[%arg0, %add3A_61, %dma_start3A_105] : memref<2x10240x64xf32, #tpu.memory_space<hbm>> -> memref<1x128x64xf32, #tpu.memory_space<hbm>>
      %dma_start3A_107 = tpu.memref_squeeze %dma_start3A_106 : memref<1x128x64xf32, #tpu.memory_space<hbm>> -> memref<128x64xf32, #tpu.memory_space<hbm>>
      tpu.enqueue_dma source(%arg10 : memref<128x64xf32, #tpu.memory_space<vmem>>) target(%dma_start3A_107 : memref<128x64xf32, #tpu.memory_space<hbm>>) target_semaphore(%run_scoped3A : memref<!tpu.dma_semaphore, #tpu.memory_space<semaphore_mem>>)
      %dma_wait3A = arith.constant 0 : i32
      %dma_wait3A_108 = tpu.memref_slice %arg5[%arg0, %add3A_61, %dma_wait3A] : memref<2x10240x64xf32, #tpu.memory_space<hbm>> -> memref<1x128x64xf32, #tpu.memory_space<hbm>>
      %dma_wait3A_109 = tpu.memref_squeeze %dma_wait3A_108 : memref<1x128x64xf32, #tpu.memory_space<hbm>> -> memref<128x64xf32, #tpu.memory_space<hbm>>
      %dma_wait3A_110 = arith.constant 0 : i32
      %dma_wait3A_111 = tpu.memref_slice %arg5[%arg0, %add3A_61, %dma_wait3A_110] : memref<2x10240x64xf32, #tpu.memory_space<hbm>> -> memref<1x128x64xf32, #tpu.memory_space<hbm>>
      %dma_wait3A_112 = tpu.memref_squeeze %dma_wait3A_111 : memref<1x128x64xf32, #tpu.memory_space<hbm>> -> memref<128x64xf32, #tpu.memory_space<hbm>>
      tpu.wait_dma2 semaphore(%run_scoped3A : memref<!tpu.dma_semaphore, #tpu.memory_space<semaphore_mem>>) src(%arg10 : memref<128x64xf32, #tpu.memory_space<vmem>>) dst(%dma_wait3A_112 : memref<128x64xf32, #tpu.memory_space<hbm>>)
      tpu.yield
    }) : () -> ()
    %eq3A_62 = arith.constant 0 : i32
    %eq3A_63 = arith.cmpi eq, %arg0, %eq3A_62 : i32
    %convert_element_type3A_64 = arith.extui %eq3A_63 : i1 to i32
    %cond3A_65 = arith.constant 0 : i32
    %cond3A_66 = arith.cmpi ne, %convert_element_type3A_64, %cond3A_65 : i32
    scf.if %cond3A_66 {
      "tpu.region"() ({
        %run_scoped3A = tpu.sem_alloc : memref<!tpu.dma_semaphore, #tpu.memory_space<semaphore_mem>>
        %dma_start3A = arith.constant 0 : i32
        %dma_start3A_103 = tpu.memref_slice %arg15[%add3A_61, %dma_start3A] : memref<10240x16xf32, #tpu.memory_space<vmem_shared>> -> memref<128x16xf32, #tpu.memory_space<vmem_shared>>
        %dma_start3A_104 = arith.constant 0 : i32
        %dma_start3A_105 = tpu.memref_slice %arg15[%add3A_61, %dma_start3A_104] : memref<10240x16xf32, #tpu.memory_space<vmem_shared>> -> memref<128x16xf32, #tpu.memory_space<vmem_shared>>
        tpu.enqueue_dma source(%dma_start3A_105 : memref<128x16xf32, #tpu.memory_space<vmem_shared>>) target(%arg14 : memref<128x16xf32, #tpu.memory_space<vmem>>) target_semaphore(%run_scoped3A : memref<!tpu.dma_semaphore, #tpu.memory_space<semaphore_mem>>)
        %dma_wait3A = arith.constant 0 : i32
        %dma_wait3A_106 = tpu.memref_slice %arg15[%add3A_61, %dma_wait3A] : memref<10240x16xf32, #tpu.memory_space<vmem_shared>> -> memref<128x16xf32, #tpu.memory_space<vmem_shared>>
        %dma_wait3A_107 = arith.constant 0 : i32
        %dma_wait3A_108 = tpu.memref_slice %arg15[%add3A_61, %dma_wait3A_107] : memref<10240x16xf32, #tpu.memory_space<vmem_shared>> -> memref<128x16xf32, #tpu.memory_space<vmem_shared>>
        tpu.wait_dma2 semaphore(%run_scoped3A : memref<!tpu.dma_semaphore, #tpu.memory_space<semaphore_mem>>) src(%dma_wait3A_108 : memref<128x16xf32, #tpu.memory_space<vmem_shared>>) dst(%arg14 : memref<128x16xf32, #tpu.memory_space<vmem>>)
        tpu.yield
      }) : () -> ()
      "tpu.region"() ({
        %run_scoped3A = tpu.sem_alloc : memref<!tpu.dma_semaphore, #tpu.memory_space<semaphore_mem>>
        %dma_start3A = arith.constant 0 : i32
        %dma_start3A_103 = tpu.memref_slice %arg6[%add3A_61, %dma_start3A] : memref<10240x16xf32, #tpu.memory_space<hbm>> -> memref<128x16xf32, #tpu.memory_space<hbm>>
        %dma_start3A_104 = arith.constant 0 : i32
        %dma_start3A_105 = tpu.memref_slice %arg6[%add3A_61, %dma_start3A_104] : memref<10240x16xf32, #tpu.memory_space<hbm>> -> memref<128x16xf32, #tpu.memory_space<hbm>>
        tpu.enqueue_dma source(%arg14 : memref<128x16xf32, #tpu.memory_space<vmem>>) target(%dma_start3A_105 : memref<128x16xf32, #tpu.memory_space<hbm>>) target_semaphore(%run_scoped3A : memref<!tpu.dma_semaphore, #tpu.memory_space<semaphore_mem>>)
        %dma_wait3A = arith.constant 0 : i32
        %dma_wait3A_106 = tpu.memref_slice %arg6[%add3A_61, %dma_wait3A] : memref<10240x16xf32, #tpu.memory_space<hbm>> -> memref<128x16xf32, #tpu.memory_space<hbm>>
        %dma_wait3A_107 = arith.constant 0 : i32
        %dma_wait3A_108 = tpu.memref_slice %arg6[%add3A_61, %dma_wait3A_107] : memref<10240x16xf32, #tpu.memory_space<hbm>> -> memref<128x16xf32, #tpu.memory_space<hbm>>
        tpu.wait_dma2 semaphore(%run_scoped3A : memref<!tpu.dma_semaphore, #tpu.memory_space<semaphore_mem>>) src(%arg14 : memref<128x16xf32, #tpu.memory_space<vmem>>) dst(%dma_wait3A_108 : memref<128x16xf32, #tpu.memory_space<hbm>>)
        tpu.yield
      }) : () -> ()
    } else {
    }
    %mul3A_67 = arith.constant 640 : i32
    %mul3A_68 = arith.muli %arg1, %mul3A_67 : i32
    %add3A_69 = arith.constant 128 : i32
    %add3A_70 = arith.addi %mul3A_68, %add3A_69 : i32
    "tpu.region"() ({
      %run_scoped3A = tpu.sem_alloc : memref<!tpu.dma_semaphore, #tpu.memory_space<semaphore_mem>>
      %dma_start3A = arith.constant 0 : i32
      %dma_start3A_103 = tpu.memref_slice %arg11[%add3A_70, %dma_start3A] : memref<10240x64xf32, #tpu.memory_space<vmem_shared>> -> memref<128x64xf32, #tpu.memory_space<vmem_shared>>
      %dma_start3A_104 = arith.constant 0 : i32
      %dma_start3A_105 = tpu.memref_slice %arg11[%add3A_70, %dma_start3A_104] : memref<10240x64xf32, #tpu.memory_space<vmem_shared>> -> memref<128x64xf32, #tpu.memory_space<vmem_shared>>
      tpu.enqueue_dma source(%dma_start3A_105 : memref<128x64xf32, #tpu.memory_space<vmem_shared>>) target(%arg10 : memref<128x64xf32, #tpu.memory_space<vmem>>) target_semaphore(%run_scoped3A : memref<!tpu.dma_semaphore, #tpu.memory_space<semaphore_mem>>)
      %dma_wait3A = arith.constant 0 : i32
      %dma_wait3A_106 = tpu.memref_slice %arg11[%add3A_70, %dma_wait3A] : memref<10240x64xf32, #tpu.memory_space<vmem_shared>> -> memref<128x64xf32, #tpu.memory_space<vmem_shared>>
      %dma_wait3A_107 = arith.constant 0 : i32
      %dma_wait3A_108 = tpu.memref_slice %arg11[%add3A_70, %dma_wait3A_107] : memref<10240x64xf32, #tpu.memory_space<vmem_shared>> -> memref<128x64xf32, #tpu.memory_space<vmem_shared>>
      tpu.wait_dma2 semaphore(%run_scoped3A : memref<!tpu.dma_semaphore, #tpu.memory_space<semaphore_mem>>) src(%dma_wait3A_108 : memref<128x64xf32, #tpu.memory_space<vmem_shared>>) dst(%arg10 : memref<128x64xf32, #tpu.memory_space<vmem>>)
      tpu.yield
    }) : () -> ()
    "tpu.region"() ({
      %run_scoped3A = tpu.sem_alloc : memref<!tpu.dma_semaphore, #tpu.memory_space<semaphore_mem>>
      %dma_start3A = arith.constant 0 : i32
      %dma_start3A_103 = tpu.memref_slice %arg5[%arg0, %add3A_70, %dma_start3A] : memref<2x10240x64xf32, #tpu.memory_space<hbm>> -> memref<1x128x64xf32, #tpu.memory_space<hbm>>
      %dma_start3A_104 = tpu.memref_squeeze %dma_start3A_103 : memref<1x128x64xf32, #tpu.memory_space<hbm>> -> memref<128x64xf32, #tpu.memory_space<hbm>>
      %dma_start3A_105 = arith.constant 0 : i32
      %dma_start3A_106 = tpu.memref_slice %arg5[%arg0, %add3A_70, %dma_start3A_105] : memref<2x10240x64xf32, #tpu.memory_space<hbm>> -> memref<1x128x64xf32, #tpu.memory_space<hbm>>
      %dma_start3A_107 = tpu.memref_squeeze %dma_start3A_106 : memref<1x128x64xf32, #tpu.memory_space<hbm>> -> memref<128x64xf32, #tpu.memory_space<hbm>>
      tpu.enqueue_dma source(%arg10 : memref<128x64xf32, #tpu.memory_space<vmem>>) target(%dma_start3A_107 : memref<128x64xf32, #tpu.memory_space<hbm>>) target_semaphore(%run_scoped3A : memref<!tpu.dma_semaphore, #tpu.memory_space<semaphore_mem>>)
      %dma_wait3A = arith.constant 0 : i32
      %dma_wait3A_108 = tpu.memref_slice %arg5[%arg0, %add3A_70, %dma_wait3A] : memref<2x10240x64xf32, #tpu.memory_space<hbm>> -> memref<1x128x64xf32, #tpu.memory_space<hbm>>
      %dma_wait3A_109 = tpu.memref_squeeze %dma_wait3A_108 : memref<1x128x64xf32, #tpu.memory_space<hbm>> -> memref<128x64xf32, #tpu.memory_space<hbm>>
      %dma_wait3A_110 = arith.constant 0 : i32
      %dma_wait3A_111 = tpu.memref_slice %arg5[%arg0, %add3A_70, %dma_wait3A_110] : memref<2x10240x64xf32, #tpu.memory_space<hbm>> -> memref<1x128x64xf32, #tpu.memory_space<hbm>>
      %dma_wait3A_112 = tpu.memref_squeeze %dma_wait3A_111 : memref<1x128x64xf32, #tpu.memory_space<hbm>> -> memref<128x64xf32, #tpu.memory_space<hbm>>
      tpu.wait_dma2 semaphore(%run_scoped3A : memref<!tpu.dma_semaphore, #tpu.memory_space<semaphore_mem>>) src(%arg10 : memref<128x64xf32, #tpu.memory_space<vmem>>) dst(%dma_wait3A_112 : memref<128x64xf32, #tpu.memory_space<hbm>>)
      tpu.yield
    }) : () -> ()
    %eq3A_71 = arith.constant 0 : i32
    %eq3A_72 = arith.cmpi eq, %arg0, %eq3A_71 : i32
    %convert_element_type3A_73 = arith.extui %eq3A_72 : i1 to i32
    %cond3A_74 = arith.constant 0 : i32
    %cond3A_75 = arith.cmpi ne, %convert_element_type3A_73, %cond3A_74 : i32
    scf.if %cond3A_75 {
      "tpu.region"() ({
        %run_scoped3A = tpu.sem_alloc : memref<!tpu.dma_semaphore, #tpu.memory_space<semaphore_mem>>
        %dma_start3A = arith.constant 0 : i32
        %dma_start3A_103 = tpu.memref_slice %arg15[%add3A_70, %dma_start3A] : memref<10240x16xf32, #tpu.memory_space<vmem_shared>> -> memref<128x16xf32, #tpu.memory_space<vmem_shared>>
        %dma_start3A_104 = arith.constant 0 : i32
        %dma_start3A_105 = tpu.memref_slice %arg15[%add3A_70, %dma_start3A_104] : memref<10240x16xf32, #tpu.memory_space<vmem_shared>> -> memref<128x16xf32, #tpu.memory_space<vmem_shared>>
        tpu.enqueue_dma source(%dma_start3A_105 : memref<128x16xf32, #tpu.memory_space<vmem_shared>>) target(%arg14 : memref<128x16xf32, #tpu.memory_space<vmem>>) target_semaphore(%run_scoped3A : memref<!tpu.dma_semaphore, #tpu.memory_space<semaphore_mem>>)
        %dma_wait3A = arith.constant 0 : i32
        %dma_wait3A_106 = tpu.memref_slice %arg15[%add3A_70, %dma_wait3A] : memref<10240x16xf32, #tpu.memory_space<vmem_shared>> -> memref<128x16xf32, #tpu.memory_space<vmem_shared>>
        %dma_wait3A_107 = arith.constant 0 : i32
        %dma_wait3A_108 = tpu.memref_slice %arg15[%add3A_70, %dma_wait3A_107] : memref<10240x16xf32, #tpu.memory_space<vmem_shared>> -> memref<128x16xf32, #tpu.memory_space<vmem_shared>>
        tpu.wait_dma2 semaphore(%run_scoped3A : memref<!tpu.dma_semaphore, #tpu.memory_space<semaphore_mem>>) src(%dma_wait3A_108 : memref<128x16xf32, #tpu.memory_space<vmem_shared>>) dst(%arg14 : memref<128x16xf32, #tpu.memory_space<vmem>>)
        tpu.yield
      }) : () -> ()
      "tpu.region"() ({
        %run_scoped3A = tpu.sem_alloc : memref<!tpu.dma_semaphore, #tpu.memory_space<semaphore_mem>>
        %dma_start3A = arith.constant 0 : i32
        %dma_start3A_103 = tpu.memref_slice %arg6[%add3A_70, %dma_start3A] : memref<10240x16xf32, #tpu.memory_space<hbm>> -> memref<128x16xf32, #tpu.memory_space<hbm>>
        %dma_start3A_104 = arith.constant 0 : i32
        %dma_start3A_105 = tpu.memref_slice %arg6[%add3A_70, %dma_start3A_104] : memref<10240x16xf32, #tpu.memory_space<hbm>> -> memref<128x16xf32, #tpu.memory_space<hbm>>
        tpu.enqueue_dma source(%arg14 : memref<128x16xf32, #tpu.memory_space<vmem>>) target(%dma_start3A_105 : memref<128x16xf32, #tpu.memory_space<hbm>>) target_semaphore(%run_scoped3A : memref<!tpu.dma_semaphore, #tpu.memory_space<semaphore_mem>>)
        %dma_wait3A = arith.constant 0 : i32
        %dma_wait3A_106 = tpu.memref_slice %arg6[%add3A_70, %dma_wait3A] : memref<10240x16xf32, #tpu.memory_space<hbm>> -> memref<128x16xf32, #tpu.memory_space<hbm>>
        %dma_wait3A_107 = arith.constant 0 : i32
        %dma_wait3A_108 = tpu.memref_slice %arg6[%add3A_70, %dma_wait3A_107] : memref<10240x16xf32, #tpu.memory_space<hbm>> -> memref<128x16xf32, #tpu.memory_space<hbm>>
        tpu.wait_dma2 semaphore(%run_scoped3A : memref<!tpu.dma_semaphore, #tpu.memory_space<semaphore_mem>>) src(%arg14 : memref<128x16xf32, #tpu.memory_space<vmem>>) dst(%dma_wait3A_108 : memref<128x16xf32, #tpu.memory_space<hbm>>)
        tpu.yield
      }) : () -> ()
    } else {
    }
    %mul3A_76 = arith.constant 640 : i32
    %mul3A_77 = arith.muli %arg1, %mul3A_76 : i32
    %add3A_78 = arith.constant 256 : i32
    %add3A_79 = arith.addi %mul3A_77, %add3A_78 : i32
    "tpu.region"() ({
      %run_scoped3A = tpu.sem_alloc : memref<!tpu.dma_semaphore, #tpu.memory_space<semaphore_mem>>
      %dma_start3A = arith.constant 0 : i32
      %dma_start3A_103 = tpu.memref_slice %arg11[%add3A_79, %dma_start3A] : memref<10240x64xf32, #tpu.memory_space<vmem_shared>> -> memref<128x64xf32, #tpu.memory_space<vmem_shared>>
      %dma_start3A_104 = arith.constant 0 : i32
      %dma_start3A_105 = tpu.memref_slice %arg11[%add3A_79, %dma_start3A_104] : memref<10240x64xf32, #tpu.memory_space<vmem_shared>> -> memref<128x64xf32, #tpu.memory_space<vmem_shared>>
      tpu.enqueue_dma source(%dma_start3A_105 : memref<128x64xf32, #tpu.memory_space<vmem_shared>>) target(%arg10 : memref<128x64xf32, #tpu.memory_space<vmem>>) target_semaphore(%run_scoped3A : memref<!tpu.dma_semaphore, #tpu.memory_space<semaphore_mem>>)
      %dma_wait3A = arith.constant 0 : i32
      %dma_wait3A_106 = tpu.memref_slice %arg11[%add3A_79, %dma_wait3A] : memref<10240x64xf32, #tpu.memory_space<vmem_shared>> -> memref<128x64xf32, #tpu.memory_space<vmem_shared>>
      %dma_wait3A_107 = arith.constant 0 : i32
      %dma_wait3A_108 = tpu.memref_slice %arg11[%add3A_79, %dma_wait3A_107] : memref<10240x64xf32, #tpu.memory_space<vmem_shared>> -> memref<128x64xf32, #tpu.memory_space<vmem_shared>>
      tpu.wait_dma2 semaphore(%run_scoped3A : memref<!tpu.dma_semaphore, #tpu.memory_space<semaphore_mem>>) src(%dma_wait3A_108 : memref<128x64xf32, #tpu.memory_space<vmem_shared>>) dst(%arg10 : memref<128x64xf32, #tpu.memory_space<vmem>>)
      tpu.yield
    }) : () -> ()
    "tpu.region"() ({
      %run_scoped3A = tpu.sem_alloc : memref<!tpu.dma_semaphore, #tpu.memory_space<semaphore_mem>>
      %dma_start3A = arith.constant 0 : i32
      %dma_start3A_103 = tpu.memref_slice %arg5[%arg0, %add3A_79, %dma_start3A] : memref<2x10240x64xf32, #tpu.memory_space<hbm>> -> memref<1x128x64xf32, #tpu.memory_space<hbm>>
      %dma_start3A_104 = tpu.memref_squeeze %dma_start3A_103 : memref<1x128x64xf32, #tpu.memory_space<hbm>> -> memref<128x64xf32, #tpu.memory_space<hbm>>
      %dma_start3A_105 = arith.constant 0 : i32
      %dma_start3A_106 = tpu.memref_slice %arg5[%arg0, %add3A_79, %dma_start3A_105] : memref<2x10240x64xf32, #tpu.memory_space<hbm>> -> memref<1x128x64xf32, #tpu.memory_space<hbm>>
      %dma_start3A_107 = tpu.memref_squeeze %dma_start3A_106 : memref<1x128x64xf32, #tpu.memory_space<hbm>> -> memref<128x64xf32, #tpu.memory_space<hbm>>
      tpu.enqueue_dma source(%arg10 : memref<128x64xf32, #tpu.memory_space<vmem>>) target(%dma_start3A_107 : memref<128x64xf32, #tpu.memory_space<hbm>>) target_semaphore(%run_scoped3A : memref<!tpu.dma_semaphore, #tpu.memory_space<semaphore_mem>>)
      %dma_wait3A = arith.constant 0 : i32
      %dma_wait3A_108 = tpu.memref_slice %arg5[%arg0, %add3A_79, %dma_wait3A] : memref<2x10240x64xf32, #tpu.memory_space<hbm>> -> memref<1x128x64xf32, #tpu.memory_space<hbm>>
      %dma_wait3A_109 = tpu.memref_squeeze %dma_wait3A_108 : memref<1x128x64xf32, #tpu.memory_space<hbm>> -> memref<128x64xf32, #tpu.memory_space<hbm>>
      %dma_wait3A_110 = arith.constant 0 : i32
      %dma_wait3A_111 = tpu.memref_slice %arg5[%arg0, %add3A_79, %dma_wait3A_110] : memref<2x10240x64xf32, #tpu.memory_space<hbm>> -> memref<1x128x64xf32, #tpu.memory_space<hbm>>
      %dma_wait3A_112 = tpu.memref_squeeze %dma_wait3A_111 : memref<1x128x64xf32, #tpu.memory_space<hbm>> -> memref<128x64xf32, #tpu.memory_space<hbm>>
      tpu.wait_dma2 semaphore(%run_scoped3A : memref<!tpu.dma_semaphore, #tpu.memory_space<semaphore_mem>>) src(%arg10 : memref<128x64xf32, #tpu.memory_space<vmem>>) dst(%dma_wait3A_112 : memref<128x64xf32, #tpu.memory_space<hbm>>)
      tpu.yield
    }) : () -> ()
    %eq3A_80 = arith.constant 0 : i32
    %eq3A_81 = arith.cmpi eq, %arg0, %eq3A_80 : i32
    %convert_element_type3A_82 = arith.extui %eq3A_81 : i1 to i32
    %cond3A_83 = arith.constant 0 : i32
    %cond3A_84 = arith.cmpi ne, %convert_element_type3A_82, %cond3A_83 : i32
    scf.if %cond3A_84 {
      "tpu.region"() ({
        %run_scoped3A = tpu.sem_alloc : memref<!tpu.dma_semaphore, #tpu.memory_space<semaphore_mem>>
        %dma_start3A = arith.constant 0 : i32
        %dma_start3A_103 = tpu.memref_slice %arg15[%add3A_79, %dma_start3A] : memref<10240x16xf32, #tpu.memory_space<vmem_shared>> -> memref<128x16xf32, #tpu.memory_space<vmem_shared>>
        %dma_start3A_104 = arith.constant 0 : i32
        %dma_start3A_105 = tpu.memref_slice %arg15[%add3A_79, %dma_start3A_104] : memref<10240x16xf32, #tpu.memory_space<vmem_shared>> -> memref<128x16xf32, #tpu.memory_space<vmem_shared>>
        tpu.enqueue_dma source(%dma_start3A_105 : memref<128x16xf32, #tpu.memory_space<vmem_shared>>) target(%arg14 : memref<128x16xf32, #tpu.memory_space<vmem>>) target_semaphore(%run_scoped3A : memref<!tpu.dma_semaphore, #tpu.memory_space<semaphore_mem>>)
        %dma_wait3A = arith.constant 0 : i32
        %dma_wait3A_106 = tpu.memref_slice %arg15[%add3A_79, %dma_wait3A] : memref<10240x16xf32, #tpu.memory_space<vmem_shared>> -> memref<128x16xf32, #tpu.memory_space<vmem_shared>>
        %dma_wait3A_107 = arith.constant 0 : i32
        %dma_wait3A_108 = tpu.memref_slice %arg15[%add3A_79, %dma_wait3A_107] : memref<10240x16xf32, #tpu.memory_space<vmem_shared>> -> memref<128x16xf32, #tpu.memory_space<vmem_shared>>
        tpu.wait_dma2 semaphore(%run_scoped3A : memref<!tpu.dma_semaphore, #tpu.memory_space<semaphore_mem>>) src(%dma_wait3A_108 : memref<128x16xf32, #tpu.memory_space<vmem_shared>>) dst(%arg14 : memref<128x16xf32, #tpu.memory_space<vmem>>)
        tpu.yield
      }) : () -> ()
      "tpu.region"() ({
        %run_scoped3A = tpu.sem_alloc : memref<!tpu.dma_semaphore, #tpu.memory_space<semaphore_mem>>
        %dma_start3A = arith.constant 0 : i32
        %dma_start3A_103 = tpu.memref_slice %arg6[%add3A_79, %dma_start3A] : memref<10240x16xf32, #tpu.memory_space<hbm>> -> memref<128x16xf32, #tpu.memory_space<hbm>>
        %dma_start3A_104 = arith.constant 0 : i32
        %dma_start3A_105 = tpu.memref_slice %arg6[%add3A_79, %dma_start3A_104] : memref<10240x16xf32, #tpu.memory_space<hbm>> -> memref<128x16xf32, #tpu.memory_space<hbm>>
        tpu.enqueue_dma source(%arg14 : memref<128x16xf32, #tpu.memory_space<vmem>>) target(%dma_start3A_105 : memref<128x16xf32, #tpu.memory_space<hbm>>) target_semaphore(%run_scoped3A : memref<!tpu.dma_semaphore, #tpu.memory_space<semaphore_mem>>)
        %dma_wait3A = arith.constant 0 : i32
        %dma_wait3A_106 = tpu.memref_slice %arg6[%add3A_79, %dma_wait3A] : memref<10240x16xf32, #tpu.memory_space<hbm>> -> memref<128x16xf32, #tpu.memory_space<hbm>>
        %dma_wait3A_107 = arith.constant 0 : i32
        %dma_wait3A_108 = tpu.memref_slice %arg6[%add3A_79, %dma_wait3A_107] : memref<10240x16xf32, #tpu.memory_space<hbm>> -> memref<128x16xf32, #tpu.memory_space<hbm>>
        tpu.wait_dma2 semaphore(%run_scoped3A : memref<!tpu.dma_semaphore, #tpu.memory_space<semaphore_mem>>) src(%arg14 : memref<128x16xf32, #tpu.memory_space<vmem>>) dst(%dma_wait3A_108 : memref<128x16xf32, #tpu.memory_space<hbm>>)
        tpu.yield
      }) : () -> ()
    } else {
    }
    %mul3A_85 = arith.constant 640 : i32
    %mul3A_86 = arith.muli %arg1, %mul3A_85 : i32
    %add3A_87 = arith.constant 384 : i32
    %add3A_88 = arith.addi %mul3A_86, %add3A_87 : i32
    "tpu.region"() ({
      %run_scoped3A = tpu.sem_alloc : memref<!tpu.dma_semaphore, #tpu.memory_space<semaphore_mem>>
      %dma_start3A = arith.constant 0 : i32
      %dma_start3A_103 = tpu.memref_slice %arg11[%add3A_88, %dma_start3A] : memref<10240x64xf32, #tpu.memory_space<vmem_shared>> -> memref<128x64xf32, #tpu.memory_space<vmem_shared>>
      %dma_start3A_104 = arith.constant 0 : i32
      %dma_start3A_105 = tpu.memref_slice %arg11[%add3A_88, %dma_start3A_104] : memref<10240x64xf32, #tpu.memory_space<vmem_shared>> -> memref<128x64xf32, #tpu.memory_space<vmem_shared>>
      tpu.enqueue_dma source(%dma_start3A_105 : memref<128x64xf32, #tpu.memory_space<vmem_shared>>) target(%arg10 : memref<128x64xf32, #tpu.memory_space<vmem>>) target_semaphore(%run_scoped3A : memref<!tpu.dma_semaphore, #tpu.memory_space<semaphore_mem>>)
      %dma_wait3A = arith.constant 0 : i32
      %dma_wait3A_106 = tpu.memref_slice %arg11[%add3A_88, %dma_wait3A] : memref<10240x64xf32, #tpu.memory_space<vmem_shared>> -> memref<128x64xf32, #tpu.memory_space<vmem_shared>>
      %dma_wait3A_107 = arith.constant 0 : i32
      %dma_wait3A_108 = tpu.memref_slice %arg11[%add3A_88, %dma_wait3A_107] : memref<10240x64xf32, #tpu.memory_space<vmem_shared>> -> memref<128x64xf32, #tpu.memory_space<vmem_shared>>
      tpu.wait_dma2 semaphore(%run_scoped3A : memref<!tpu.dma_semaphore, #tpu.memory_space<semaphore_mem>>) src(%dma_wait3A_108 : memref<128x64xf32, #tpu.memory_space<vmem_shared>>) dst(%arg10 : memref<128x64xf32, #tpu.memory_space<vmem>>)
      tpu.yield
    }) : () -> ()
    "tpu.region"() ({
      %run_scoped3A = tpu.sem_alloc : memref<!tpu.dma_semaphore, #tpu.memory_space<semaphore_mem>>
      %dma_start3A = arith.constant 0 : i32
      %dma_start3A_103 = tpu.memref_slice %arg5[%arg0, %add3A_88, %dma_start3A] : memref<2x10240x64xf32, #tpu.memory_space<hbm>> -> memref<1x128x64xf32, #tpu.memory_space<hbm>>
      %dma_start3A_104 = tpu.memref_squeeze %dma_start3A_103 : memref<1x128x64xf32, #tpu.memory_space<hbm>> -> memref<128x64xf32, #tpu.memory_space<hbm>>
      %dma_start3A_105 = arith.constant 0 : i32
      %dma_start3A_106 = tpu.memref_slice %arg5[%arg0, %add3A_88, %dma_start3A_105] : memref<2x10240x64xf32, #tpu.memory_space<hbm>> -> memref<1x128x64xf32, #tpu.memory_space<hbm>>
      %dma_start3A_107 = tpu.memref_squeeze %dma_start3A_106 : memref<1x128x64xf32, #tpu.memory_space<hbm>> -> memref<128x64xf32, #tpu.memory_space<hbm>>
      tpu.enqueue_dma source(%arg10 : memref<128x64xf32, #tpu.memory_space<vmem>>) target(%dma_start3A_107 : memref<128x64xf32, #tpu.memory_space<hbm>>) target_semaphore(%run_scoped3A : memref<!tpu.dma_semaphore, #tpu.memory_space<semaphore_mem>>)
      %dma_wait3A = arith.constant 0 : i32
      %dma_wait3A_108 = tpu.memref_slice %arg5[%arg0, %add3A_88, %dma_wait3A] : memref<2x10240x64xf32, #tpu.memory_space<hbm>> -> memref<1x128x64xf32, #tpu.memory_space<hbm>>
      %dma_wait3A_109 = tpu.memref_squeeze %dma_wait3A_108 : memref<1x128x64xf32, #tpu.memory_space<hbm>> -> memref<128x64xf32, #tpu.memory_space<hbm>>
      %dma_wait3A_110 = arith.constant 0 : i32
      %dma_wait3A_111 = tpu.memref_slice %arg5[%arg0, %add3A_88, %dma_wait3A_110] : memref<2x10240x64xf32, #tpu.memory_space<hbm>> -> memref<1x128x64xf32, #tpu.memory_space<hbm>>
      %dma_wait3A_112 = tpu.memref_squeeze %dma_wait3A_111 : memref<1x128x64xf32, #tpu.memory_space<hbm>> -> memref<128x64xf32, #tpu.memory_space<hbm>>
      tpu.wait_dma2 semaphore(%run_scoped3A : memref<!tpu.dma_semaphore, #tpu.memory_space<semaphore_mem>>) src(%arg10 : memref<128x64xf32, #tpu.memory_space<vmem>>) dst(%dma_wait3A_112 : memref<128x64xf32, #tpu.memory_space<hbm>>)
      tpu.yield
    }) : () -> ()
    %eq3A_89 = arith.constant 0 : i32
    %eq3A_90 = arith.cmpi eq, %arg0, %eq3A_89 : i32
    %convert_element_type3A_91 = arith.extui %eq3A_90 : i1 to i32
    %cond3A_92 = arith.constant 0 : i32
    %cond3A_93 = arith.cmpi ne, %convert_element_type3A_91, %cond3A_92 : i32
    scf.if %cond3A_93 {
      "tpu.region"() ({
        %run_scoped3A = tpu.sem_alloc : memref<!tpu.dma_semaphore, #tpu.memory_space<semaphore_mem>>
        %dma_start3A = arith.constant 0 : i32
        %dma_start3A_103 = tpu.memref_slice %arg15[%add3A_88, %dma_start3A] : memref<10240x16xf32, #tpu.memory_space<vmem_shared>> -> memref<128x16xf32, #tpu.memory_space<vmem_shared>>
        %dma_start3A_104 = arith.constant 0 : i32
        %dma_start3A_105 = tpu.memref_slice %arg15[%add3A_88, %dma_start3A_104] : memref<10240x16xf32, #tpu.memory_space<vmem_shared>> -> memref<128x16xf32, #tpu.memory_space<vmem_shared>>
        tpu.enqueue_dma source(%dma_start3A_105 : memref<128x16xf32, #tpu.memory_space<vmem_shared>>) target(%arg14 : memref<128x16xf32, #tpu.memory_space<vmem>>) target_semaphore(%run_scoped3A : memref<!tpu.dma_semaphore, #tpu.memory_space<semaphore_mem>>)
        %dma_wait3A = arith.constant 0 : i32
        %dma_wait3A_106 = tpu.memref_slice %arg15[%add3A_88, %dma_wait3A] : memref<10240x16xf32, #tpu.memory_space<vmem_shared>> -> memref<128x16xf32, #tpu.memory_space<vmem_shared>>
        %dma_wait3A_107 = arith.constant 0 : i32
        %dma_wait3A_108 = tpu.memref_slice %arg15[%add3A_88, %dma_wait3A_107] : memref<10240x16xf32, #tpu.memory_space<vmem_shared>> -> memref<128x16xf32, #tpu.memory_space<vmem_shared>>
        tpu.wait_dma2 semaphore(%run_scoped3A : memref<!tpu.dma_semaphore, #tpu.memory_space<semaphore_mem>>) src(%dma_wait3A_108 : memref<128x16xf32, #tpu.memory_space<vmem_shared>>) dst(%arg14 : memref<128x16xf32, #tpu.memory_space<vmem>>)
        tpu.yield
      }) : () -> ()
      "tpu.region"() ({
        %run_scoped3A = tpu.sem_alloc : memref<!tpu.dma_semaphore, #tpu.memory_space<semaphore_mem>>
        %dma_start3A = arith.constant 0 : i32
        %dma_start3A_103 = tpu.memref_slice %arg6[%add3A_88, %dma_start3A] : memref<10240x16xf32, #tpu.memory_space<hbm>> -> memref<128x16xf32, #tpu.memory_space<hbm>>
        %dma_start3A_104 = arith.constant 0 : i32
        %dma_start3A_105 = tpu.memref_slice %arg6[%add3A_88, %dma_start3A_104] : memref<10240x16xf32, #tpu.memory_space<hbm>> -> memref<128x16xf32, #tpu.memory_space<hbm>>
        tpu.enqueue_dma source(%arg14 : memref<128x16xf32, #tpu.memory_space<vmem>>) target(%dma_start3A_105 : memref<128x16xf32, #tpu.memory_space<hbm>>) target_semaphore(%run_scoped3A : memref<!tpu.dma_semaphore, #tpu.memory_space<semaphore_mem>>)
        %dma_wait3A = arith.constant 0 : i32
        %dma_wait3A_106 = tpu.memref_slice %arg6[%add3A_88, %dma_wait3A] : memref<10240x16xf32, #tpu.memory_space<hbm>> -> memref<128x16xf32, #tpu.memory_space<hbm>>
        %dma_wait3A_107 = arith.constant 0 : i32
        %dma_wait3A_108 = tpu.memref_slice %arg6[%add3A_88, %dma_wait3A_107] : memref<10240x16xf32, #tpu.memory_space<hbm>> -> memref<128x16xf32, #tpu.memory_space<hbm>>
        tpu.wait_dma2 semaphore(%run_scoped3A : memref<!tpu.dma_semaphore, #tpu.memory_space<semaphore_mem>>) src(%arg14 : memref<128x16xf32, #tpu.memory_space<vmem>>) dst(%dma_wait3A_108 : memref<128x16xf32, #tpu.memory_space<hbm>>)
        tpu.yield
      }) : () -> ()
    } else {
    }
    %mul3A_94 = arith.constant 640 : i32
    %mul3A_95 = arith.muli %arg1, %mul3A_94 : i32
    %add3A_96 = arith.constant 512 : i32
    %add3A_97 = arith.addi %mul3A_95, %add3A_96 : i32
    "tpu.region"() ({
      %run_scoped3A = tpu.sem_alloc : memref<!tpu.dma_semaphore, #tpu.memory_space<semaphore_mem>>
      %dma_start3A = arith.constant 0 : i32
      %dma_start3A_103 = tpu.memref_slice %arg11[%add3A_97, %dma_start3A] : memref<10240x64xf32, #tpu.memory_space<vmem_shared>> -> memref<128x64xf32, #tpu.memory_space<vmem_shared>>
      %dma_start3A_104 = arith.constant 0 : i32
      %dma_start3A_105 = tpu.memref_slice %arg11[%add3A_97, %dma_start3A_104] : memref<10240x64xf32, #tpu.memory_space<vmem_shared>> -> memref<128x64xf32, #tpu.memory_space<vmem_shared>>
      tpu.enqueue_dma source(%dma_start3A_105 : memref<128x64xf32, #tpu.memory_space<vmem_shared>>) target(%arg10 : memref<128x64xf32, #tpu.memory_space<vmem>>) target_semaphore(%run_scoped3A : memref<!tpu.dma_semaphore, #tpu.memory_space<semaphore_mem>>)
      %dma_wait3A = arith.constant 0 : i32
      %dma_wait3A_106 = tpu.memref_slice %arg11[%add3A_97, %dma_wait3A] : memref<10240x64xf32, #tpu.memory_space<vmem_shared>> -> memref<128x64xf32, #tpu.memory_space<vmem_shared>>
      %dma_wait3A_107 = arith.constant 0 : i32
      %dma_wait3A_108 = tpu.memref_slice %arg11[%add3A_97, %dma_wait3A_107] : memref<10240x64xf32, #tpu.memory_space<vmem_shared>> -> memref<128x64xf32, #tpu.memory_space<vmem_shared>>
      tpu.wait_dma2 semaphore(%run_scoped3A : memref<!tpu.dma_semaphore, #tpu.memory_space<semaphore_mem>>) src(%dma_wait3A_108 : memref<128x64xf32, #tpu.memory_space<vmem_shared>>) dst(%arg10 : memref<128x64xf32, #tpu.memory_space<vmem>>)
      tpu.yield
    }) : () -> ()
    "tpu.region"() ({
      %run_scoped3A = tpu.sem_alloc : memref<!tpu.dma_semaphore, #tpu.memory_space<semaphore_mem>>
      %dma_start3A = arith.constant 0 : i32
      %dma_start3A_103 = tpu.memref_slice %arg5[%arg0, %add3A_97, %dma_start3A] : memref<2x10240x64xf32, #tpu.memory_space<hbm>> -> memref<1x128x64xf32, #tpu.memory_space<hbm>>
      %dma_start3A_104 = tpu.memref_squeeze %dma_start3A_103 : memref<1x128x64xf32, #tpu.memory_space<hbm>> -> memref<128x64xf32, #tpu.memory_space<hbm>>
      %dma_start3A_105 = arith.constant 0 : i32
      %dma_start3A_106 = tpu.memref_slice %arg5[%arg0, %add3A_97, %dma_start3A_105] : memref<2x10240x64xf32, #tpu.memory_space<hbm>> -> memref<1x128x64xf32, #tpu.memory_space<hbm>>
      %dma_start3A_107 = tpu.memref_squeeze %dma_start3A_106 : memref<1x128x64xf32, #tpu.memory_space<hbm>> -> memref<128x64xf32, #tpu.memory_space<hbm>>
      tpu.enqueue_dma source(%arg10 : memref<128x64xf32, #tpu.memory_space<vmem>>) target(%dma_start3A_107 : memref<128x64xf32, #tpu.memory_space<hbm>>) target_semaphore(%run_scoped3A : memref<!tpu.dma_semaphore, #tpu.memory_space<semaphore_mem>>)
      %dma_wait3A = arith.constant 0 : i32
      %dma_wait3A_108 = tpu.memref_slice %arg5[%arg0, %add3A_97, %dma_wait3A] : memref<2x10240x64xf32, #tpu.memory_space<hbm>> -> memref<1x128x64xf32, #tpu.memory_space<hbm>>
      %dma_wait3A_109 = tpu.memref_squeeze %dma_wait3A_108 : memref<1x128x64xf32, #tpu.memory_space<hbm>> -> memref<128x64xf32, #tpu.memory_space<hbm>>
      %dma_wait3A_110 = arith.constant 0 : i32
      %dma_wait3A_111 = tpu.memref_slice %arg5[%arg0, %add3A_97, %dma_wait3A_110] : memref<2x10240x64xf32, #tpu.memory_space<hbm>> -> memref<1x128x64xf32, #tpu.memory_space<hbm>>
      %dma_wait3A_112 = tpu.memref_squeeze %dma_wait3A_111 : memref<1x128x64xf32, #tpu.memory_space<hbm>> -> memref<128x64xf32, #tpu.memory_space<hbm>>
      tpu.wait_dma2 semaphore(%run_scoped3A : memref<!tpu.dma_semaphore, #tpu.memory_space<semaphore_mem>>) src(%arg10 : memref<128x64xf32, #tpu.memory_space<vmem>>) dst(%dma_wait3A_112 : memref<128x64xf32, #tpu.memory_space<hbm>>)
      tpu.yield
    }) : () -> ()
    %eq3A_98 = arith.constant 0 : i32
    %eq3A_99 = arith.cmpi eq, %arg0, %eq3A_98 : i32
    %convert_element_type3A_100 = arith.extui %eq3A_99 : i1 to i32
    %cond3A_101 = arith.constant 0 : i32
    %cond3A_102 = arith.cmpi ne, %convert_element_type3A_100, %cond3A_101 : i32
    scf.if %cond3A_102 {
      "tpu.region"() ({
        %run_scoped3A = tpu.sem_alloc : memref<!tpu.dma_semaphore, #tpu.memory_space<semaphore_mem>>
        %dma_start3A = arith.constant 0 : i32
        %dma_start3A_103 = tpu.memref_slice %arg15[%add3A_97, %dma_start3A] : memref<10240x16xf32, #tpu.memory_space<vmem_shared>> -> memref<128x16xf32, #tpu.memory_space<vmem_shared>>
        %dma_start3A_104 = arith.constant 0 : i32
        %dma_start3A_105 = tpu.memref_slice %arg15[%add3A_97, %dma_start3A_104] : memref<10240x16xf32, #tpu.memory_space<vmem_shared>> -> memref<128x16xf32, #tpu.memory_space<vmem_shared>>
        tpu.enqueue_dma source(%dma_start3A_105 : memref<128x16xf32, #tpu.memory_space<vmem_shared>>) target(%arg14 : memref<128x16xf32, #tpu.memory_space<vmem>>) target_semaphore(%run_scoped3A : memref<!tpu.dma_semaphore, #tpu.memory_space<semaphore_mem>>)
        %dma_wait3A = arith.constant 0 : i32
        %dma_wait3A_106 = tpu.memref_slice %arg15[%add3A_97, %dma_wait3A] : memref<10240x16xf32, #tpu.memory_space<vmem_shared>> -> memref<128x16xf32, #tpu.memory_space<vmem_shared>>
        %dma_wait3A_107 = arith.constant 0 : i32
        %dma_wait3A_108 = tpu.memref_slice %arg15[%add3A_97, %dma_wait3A_107] : memref<10240x16xf32, #tpu.memory_space<vmem_shared>> -> memref<128x16xf32, #tpu.memory_space<vmem_shared>>
        tpu.wait_dma2 semaphore(%run_scoped3A : memref<!tpu.dma_semaphore, #tpu.memory_space<semaphore_mem>>) src(%dma_wait3A_108 : memref<128x16xf32, #tpu.memory_space<vmem_shared>>) dst(%arg14 : memref<128x16xf32, #tpu.memory_space<vmem>>)
        tpu.yield
      }) : () -> ()
      "tpu.region"() ({
        %run_scoped3A = tpu.sem_alloc : memref<!tpu.dma_semaphore, #tpu.memory_space<semaphore_mem>>
        %dma_start3A = arith.constant 0 : i32
        %dma_start3A_103 = tpu.memref_slice %arg6[%add3A_97, %dma_start3A] : memref<10240x16xf32, #tpu.memory_space<hbm>> -> memref<128x16xf32, #tpu.memory_space<hbm>>
        %dma_start3A_104 = arith.constant 0 : i32
        %dma_start3A_105 = tpu.memref_slice %arg6[%add3A_97, %dma_start3A_104] : memref<10240x16xf32, #tpu.memory_space<hbm>> -> memref<128x16xf32, #tpu.memory_space<hbm>>
        tpu.enqueue_dma source(%arg14 : memref<128x16xf32, #tpu.memory_space<vmem>>) target(%dma_start3A_105 : memref<128x16xf32, #tpu.memory_space<hbm>>) target_semaphore(%run_scoped3A : memref<!tpu.dma_semaphore, #tpu.memory_space<semaphore_mem>>)
        %dma_wait3A = arith.constant 0 : i32
        %dma_wait3A_106 = tpu.memref_slice %arg6[%add3A_97, %dma_wait3A] : memref<10240x16xf32, #tpu.memory_space<hbm>> -> memref<128x16xf32, #tpu.memory_space<hbm>>
        %dma_wait3A_107 = arith.constant 0 : i32
        %dma_wait3A_108 = tpu.memref_slice %arg6[%add3A_97, %dma_wait3A_107] : memref<10240x16xf32, #tpu.memory_space<hbm>> -> memref<128x16xf32, #tpu.memory_space<hbm>>
        tpu.wait_dma2 semaphore(%run_scoped3A : memref<!tpu.dma_semaphore, #tpu.memory_space<semaphore_mem>>) src(%arg14 : memref<128x16xf32, #tpu.memory_space<vmem>>) dst(%dma_wait3A_108 : memref<128x16xf32, #tpu.memory_space<hbm>>)
        tpu.yield
      }) : () -> ()
    } else {
    }
    return
  }
}

#map = affine_map<(d0, d1) -> (0, 0)>
#map1 = affine_map<(d0, d1) -> (0, 0, 0, 0)>
#map2 = affine_map<(d0, d1) -> (0, 0, 0)>
module attributes {stable_mosaic.version = 14 : i64} {
  func.func @sc_agg(%arg0: i32, %arg1: i32, %arg2: memref<20000x64xf32, #tpu.memory_space<hbm>>, %arg3: memref<2x16x250x80xi32, #tpu.memory_space<hbm>>, %arg4: memref<16x250x80xi32, #tpu.memory_space<hbm>>, %arg5: memref<2x10240x64xf32, #tpu.memory_space<hbm>>, %arg6: memref<250x80xi32, #tpu.memory_space<vmem>>, %arg7: memref<250x80xi32, #tpu.memory_space<vmem>>, %arg8: memref<80x64xf32, #tpu.memory_space<vmem>>, %arg9: memref<128x64xf32, #tpu.memory_space<vmem>>, %arg10: memref<10240x64xf32, #tpu.memory_space<vmem_shared>>, %arg11: memref<!tpu.dma_semaphore, #tpu.memory_space<semaphore_mem>>) attributes {dimension_semantics = [#tpu.dimension_semantics<core_parallel>, #tpu.dimension_semantics<subcore_parallel>], iteration_bounds = array<i64: 2, 16>, scalar_prefetch = 0 : i64, scratch_operands = 6 : i64, tpu.core_type = #tpu.core_type<sc_vector_subcore>, window_params = [{transform_indices = #map}, {transform_indices = #map1}, {transform_indices = #map2}, {transform_indices = #map2}]} {
    %scan3A = arith.constant 0 : i32
    %scan3A_0 = arith.constant 0 : i32
    %scan3A_1 = arith.constant 128 : i32
    %scan3A_2 = arith.addi %scan3A_0, %scan3A_1 : i32
    %scan3A_3 = arith.constant 1 : i32
    scf.for %scan3A_50 = %scan3A_0 to %scan3A_2 step %scan3A_3  : i32 {
      %broadcast_in_dim3A = arith.constant 0.000000e+00 : f32
      %broadcast_in_dim3A_51 = vector.broadcast %broadcast_in_dim3A : f32 to vector<16xf32>
      %swap3A = arith.index_cast %scan3A_50 : i32 to index
      %swap3A_52 = arith.constant 0 : index
      %swap3A_53 = tpu.vector_load %arg9[%swap3A, %swap3A_52] {strides = array<i32>} : memref<128x64xf32, #tpu.memory_space<vmem>>, vector<1x16xf32>,
      %swap3A_54 = vector.shape_cast %swap3A_53 : vector<1x16xf32> to vector<16xf32>
      %swap3A_55 = vector.shape_cast %broadcast_in_dim3A_51 : vector<16xf32> to vector<1x16xf32>
      tpu.vector_store %arg9[%swap3A, %swap3A_52], %swap3A_55 {strides = array<i32>} : memref<128x64xf32, #tpu.memory_space<vmem>>, vector<1x16xf32>,
      %swap3A_56 = arith.index_cast %scan3A_50 : i32 to index
      %swap3A_57 = arith.constant 16 : index
      %swap3A_58 = tpu.vector_load %arg9[%swap3A_56, %swap3A_57] {strides = array<i32>} : memref<128x64xf32, #tpu.memory_space<vmem>>, vector<1x16xf32>,
      %swap3A_59 = vector.shape_cast %swap3A_58 : vector<1x16xf32> to vector<16xf32>
      %swap3A_60 = vector.shape_cast %broadcast_in_dim3A_51 : vector<16xf32> to vector<1x16xf32>
      tpu.vector_store %arg9[%swap3A_56, %swap3A_57], %swap3A_60 {strides = array<i32>} : memref<128x64xf32, #tpu.memory_space<vmem>>, vector<1x16xf32>,
      %swap3A_61 = arith.index_cast %scan3A_50 : i32 to index
      %swap3A_62 = arith.constant 32 : index
      %swap3A_63 = tpu.vector_load %arg9[%swap3A_61, %swap3A_62] {strides = array<i32>} : memref<128x64xf32, #tpu.memory_space<vmem>>, vector<1x16xf32>,
      %swap3A_64 = vector.shape_cast %swap3A_63 : vector<1x16xf32> to vector<16xf32>
      %swap3A_65 = vector.shape_cast %broadcast_in_dim3A_51 : vector<16xf32> to vector<1x16xf32>
      tpu.vector_store %arg9[%swap3A_61, %swap3A_62], %swap3A_65 {strides = array<i32>} : memref<128x64xf32, #tpu.memory_space<vmem>>, vector<1x16xf32>,
      %swap3A_66 = arith.index_cast %scan3A_50 : i32 to index
      %swap3A_67 = arith.constant 48 : index
      %swap3A_68 = tpu.vector_load %arg9[%swap3A_66, %swap3A_67] {strides = array<i32>} : memref<128x64xf32, #tpu.memory_space<vmem>>, vector<1x16xf32>,
      %swap3A_69 = vector.shape_cast %swap3A_68 : vector<1x16xf32> to vector<16xf32>
      %swap3A_70 = vector.shape_cast %broadcast_in_dim3A_51 : vector<16xf32> to vector<1x16xf32>
      tpu.vector_store %arg9[%swap3A_66, %swap3A_67], %swap3A_70 {strides = array<i32>} : memref<128x64xf32, #tpu.memory_space<vmem>>, vector<1x16xf32>,
    }
    %scan3A_4 = arith.constant 128 : i32
    %mul3A = arith.constant 640 : i32
    %mul3A_5 = arith.muli %arg1, %mul3A : i32
    %add3A = arith.constant 0 : i32
    %add3A_6 = arith.addi %mul3A_5, %add3A : i32
    "tpu.region"() ({
      %run_scoped3A = tpu.sem_alloc : memref<!tpu.dma_semaphore, #tpu.memory_space<semaphore_mem>>
      %dma_start3A = arith.constant 0 : i32
      %dma_start3A_50 = tpu.memref_slice %arg10[%add3A_6, %dma_start3A] : memref<10240x64xf32, #tpu.memory_space<vmem_shared>> -> memref<128x64xf32, #tpu.memory_space<vmem_shared>>
      %dma_start3A_51 = arith.constant 0 : i32
      %dma_start3A_52 = tpu.memref_slice %arg10[%add3A_6, %dma_start3A_51] : memref<10240x64xf32, #tpu.memory_space<vmem_shared>> -> memref<128x64xf32, #tpu.memory_space<vmem_shared>>
      tpu.enqueue_dma source(%arg9 : memref<128x64xf32, #tpu.memory_space<vmem>>) target(%dma_start3A_52 : memref<128x64xf32, #tpu.memory_space<vmem_shared>>) target_semaphore(%run_scoped3A : memref<!tpu.dma_semaphore, #tpu.memory_space<semaphore_mem>>)
      %dma_wait3A = arith.constant 0 : i32
      %dma_wait3A_53 = tpu.memref_slice %arg10[%add3A_6, %dma_wait3A] : memref<10240x64xf32, #tpu.memory_space<vmem_shared>> -> memref<128x64xf32, #tpu.memory_space<vmem_shared>>
      %dma_wait3A_54 = arith.constant 0 : i32
      %dma_wait3A_55 = tpu.memref_slice %arg10[%add3A_6, %dma_wait3A_54] : memref<10240x64xf32, #tpu.memory_space<vmem_shared>> -> memref<128x64xf32, #tpu.memory_space<vmem_shared>>
      tpu.wait_dma2 semaphore(%run_scoped3A : memref<!tpu.dma_semaphore, #tpu.memory_space<semaphore_mem>>) src(%arg9 : memref<128x64xf32, #tpu.memory_space<vmem>>) dst(%dma_wait3A_55 : memref<128x64xf32, #tpu.memory_space<vmem_shared>>)
      tpu.yield
    }) : () -> ()
    %mul3A_7 = arith.constant 640 : i32
    %mul3A_8 = arith.muli %arg1, %mul3A_7 : i32
    %add3A_9 = arith.constant 128 : i32
    %add3A_10 = arith.addi %mul3A_8, %add3A_9 : i32
    "tpu.region"() ({
      %run_scoped3A = tpu.sem_alloc : memref<!tpu.dma_semaphore, #tpu.memory_space<semaphore_mem>>
      %dma_start3A = arith.constant 0 : i32
      %dma_start3A_50 = tpu.memref_slice %arg10[%add3A_10, %dma_start3A] : memref<10240x64xf32, #tpu.memory_space<vmem_shared>> -> memref<128x64xf32, #tpu.memory_space<vmem_shared>>
      %dma_start3A_51 = arith.constant 0 : i32
      %dma_start3A_52 = tpu.memref_slice %arg10[%add3A_10, %dma_start3A_51] : memref<10240x64xf32, #tpu.memory_space<vmem_shared>> -> memref<128x64xf32, #tpu.memory_space<vmem_shared>>
      tpu.enqueue_dma source(%arg9 : memref<128x64xf32, #tpu.memory_space<vmem>>) target(%dma_start3A_52 : memref<128x64xf32, #tpu.memory_space<vmem_shared>>) target_semaphore(%run_scoped3A : memref<!tpu.dma_semaphore, #tpu.memory_space<semaphore_mem>>)
      %dma_wait3A = arith.constant 0 : i32
      %dma_wait3A_53 = tpu.memref_slice %arg10[%add3A_10, %dma_wait3A] : memref<10240x64xf32, #tpu.memory_space<vmem_shared>> -> memref<128x64xf32, #tpu.memory_space<vmem_shared>>
      %dma_wait3A_54 = arith.constant 0 : i32
      %dma_wait3A_55 = tpu.memref_slice %arg10[%add3A_10, %dma_wait3A_54] : memref<10240x64xf32, #tpu.memory_space<vmem_shared>> -> memref<128x64xf32, #tpu.memory_space<vmem_shared>>
      tpu.wait_dma2 semaphore(%run_scoped3A : memref<!tpu.dma_semaphore, #tpu.memory_space<semaphore_mem>>) src(%arg9 : memref<128x64xf32, #tpu.memory_space<vmem>>) dst(%dma_wait3A_55 : memref<128x64xf32, #tpu.memory_space<vmem_shared>>)
      tpu.yield
    }) : () -> ()
    %mul3A_11 = arith.constant 640 : i32
    %mul3A_12 = arith.muli %arg1, %mul3A_11 : i32
    %add3A_13 = arith.constant 256 : i32
    %add3A_14 = arith.addi %mul3A_12, %add3A_13 : i32
    "tpu.region"() ({
      %run_scoped3A = tpu.sem_alloc : memref<!tpu.dma_semaphore, #tpu.memory_space<semaphore_mem>>
      %dma_start3A = arith.constant 0 : i32
      %dma_start3A_50 = tpu.memref_slice %arg10[%add3A_14, %dma_start3A] : memref<10240x64xf32, #tpu.memory_space<vmem_shared>> -> memref<128x64xf32, #tpu.memory_space<vmem_shared>>
      %dma_start3A_51 = arith.constant 0 : i32
      %dma_start3A_52 = tpu.memref_slice %arg10[%add3A_14, %dma_start3A_51] : memref<10240x64xf32, #tpu.memory_space<vmem_shared>> -> memref<128x64xf32, #tpu.memory_space<vmem_shared>>
      tpu.enqueue_dma source(%arg9 : memref<128x64xf32, #tpu.memory_space<vmem>>) target(%dma_start3A_52 : memref<128x64xf32, #tpu.memory_space<vmem_shared>>) target_semaphore(%run_scoped3A : memref<!tpu.dma_semaphore, #tpu.memory_space<semaphore_mem>>)
      %dma_wait3A = arith.constant 0 : i32
      %dma_wait3A_53 = tpu.memref_slice %arg10[%add3A_14, %dma_wait3A] : memref<10240x64xf32, #tpu.memory_space<vmem_shared>> -> memref<128x64xf32, #tpu.memory_space<vmem_shared>>
      %dma_wait3A_54 = arith.constant 0 : i32
      %dma_wait3A_55 = tpu.memref_slice %arg10[%add3A_14, %dma_wait3A_54] : memref<10240x64xf32, #tpu.memory_space<vmem_shared>> -> memref<128x64xf32, #tpu.memory_space<vmem_shared>>
      tpu.wait_dma2 semaphore(%run_scoped3A : memref<!tpu.dma_semaphore, #tpu.memory_space<semaphore_mem>>) src(%arg9 : memref<128x64xf32, #tpu.memory_space<vmem>>) dst(%dma_wait3A_55 : memref<128x64xf32, #tpu.memory_space<vmem_shared>>)
      tpu.yield
    }) : () -> ()
    %mul3A_15 = arith.constant 640 : i32
    %mul3A_16 = arith.muli %arg1, %mul3A_15 : i32
    %add3A_17 = arith.constant 384 : i32
    %add3A_18 = arith.addi %mul3A_16, %add3A_17 : i32
    "tpu.region"() ({
      %run_scoped3A = tpu.sem_alloc : memref<!tpu.dma_semaphore, #tpu.memory_space<semaphore_mem>>
      %dma_start3A = arith.constant 0 : i32
      %dma_start3A_50 = tpu.memref_slice %arg10[%add3A_18, %dma_start3A] : memref<10240x64xf32, #tpu.memory_space<vmem_shared>> -> memref<128x64xf32, #tpu.memory_space<vmem_shared>>
      %dma_start3A_51 = arith.constant 0 : i32
      %dma_start3A_52 = tpu.memref_slice %arg10[%add3A_18, %dma_start3A_51] : memref<10240x64xf32, #tpu.memory_space<vmem_shared>> -> memref<128x64xf32, #tpu.memory_space<vmem_shared>>
      tpu.enqueue_dma source(%arg9 : memref<128x64xf32, #tpu.memory_space<vmem>>) target(%dma_start3A_52 : memref<128x64xf32, #tpu.memory_space<vmem_shared>>) target_semaphore(%run_scoped3A : memref<!tpu.dma_semaphore, #tpu.memory_space<semaphore_mem>>)
      %dma_wait3A = arith.constant 0 : i32
      %dma_wait3A_53 = tpu.memref_slice %arg10[%add3A_18, %dma_wait3A] : memref<10240x64xf32, #tpu.memory_space<vmem_shared>> -> memref<128x64xf32, #tpu.memory_space<vmem_shared>>
      %dma_wait3A_54 = arith.constant 0 : i32
      %dma_wait3A_55 = tpu.memref_slice %arg10[%add3A_18, %dma_wait3A_54] : memref<10240x64xf32, #tpu.memory_space<vmem_shared>> -> memref<128x64xf32, #tpu.memory_space<vmem_shared>>
      tpu.wait_dma2 semaphore(%run_scoped3A : memref<!tpu.dma_semaphore, #tpu.memory_space<semaphore_mem>>) src(%arg9 : memref<128x64xf32, #tpu.memory_space<vmem>>) dst(%dma_wait3A_55 : memref<128x64xf32, #tpu.memory_space<vmem_shared>>)
      tpu.yield
    }) : () -> ()
    %mul3A_19 = arith.constant 640 : i32
    %mul3A_20 = arith.muli %arg1, %mul3A_19 : i32
    %add3A_21 = arith.constant 512 : i32
    %add3A_22 = arith.addi %mul3A_20, %add3A_21 : i32
    "tpu.region"() ({
      %run_scoped3A = tpu.sem_alloc : memref<!tpu.dma_semaphore, #tpu.memory_space<semaphore_mem>>
      %dma_start3A = arith.constant 0 : i32
      %dma_start3A_50 = tpu.memref_slice %arg10[%add3A_22, %dma_start3A] : memref<10240x64xf32, #tpu.memory_space<vmem_shared>> -> memref<128x64xf32, #tpu.memory_space<vmem_shared>>
      %dma_start3A_51 = arith.constant 0 : i32
      %dma_start3A_52 = tpu.memref_slice %arg10[%add3A_22, %dma_start3A_51] : memref<10240x64xf32, #tpu.memory_space<vmem_shared>> -> memref<128x64xf32, #tpu.memory_space<vmem_shared>>
      tpu.enqueue_dma source(%arg9 : memref<128x64xf32, #tpu.memory_space<vmem>>) target(%dma_start3A_52 : memref<128x64xf32, #tpu.memory_space<vmem_shared>>) target_semaphore(%run_scoped3A : memref<!tpu.dma_semaphore, #tpu.memory_space<semaphore_mem>>)
      %dma_wait3A = arith.constant 0 : i32
      %dma_wait3A_53 = tpu.memref_slice %arg10[%add3A_22, %dma_wait3A] : memref<10240x64xf32, #tpu.memory_space<vmem_shared>> -> memref<128x64xf32, #tpu.memory_space<vmem_shared>>
      %dma_wait3A_54 = arith.constant 0 : i32
      %dma_wait3A_55 = tpu.memref_slice %arg10[%add3A_22, %dma_wait3A_54] : memref<10240x64xf32, #tpu.memory_space<vmem_shared>> -> memref<128x64xf32, #tpu.memory_space<vmem_shared>>
      tpu.wait_dma2 semaphore(%run_scoped3A : memref<!tpu.dma_semaphore, #tpu.memory_space<semaphore_mem>>) src(%arg9 : memref<128x64xf32, #tpu.memory_space<vmem>>) dst(%dma_wait3A_55 : memref<128x64xf32, #tpu.memory_space<vmem_shared>>)
      tpu.yield
    }) : () -> ()
    %barrier3A = arith.constant 0 : index
    tpu.barrier barrier_id(%barrier3A)
    "tpu.region"() ({
      %run_scoped3A = tpu.sem_alloc : memref<!tpu.dma_semaphore, #tpu.memory_space<semaphore_mem>>
      %dma_start3A = arith.constant 0 : i32
      %dma_start3A_50 = arith.constant 0 : i32
      %dma_start3A_51 = tpu.memref_slice %arg3[%arg0, %arg1, %dma_start3A, %dma_start3A_50] : memref<2x16x250x80xi32, #tpu.memory_space<hbm>> -> memref<1x1x250x80xi32, #tpu.memory_space<hbm>>
      %dma_start3A_52 = tpu.memref_squeeze %dma_start3A_51 : memref<1x1x250x80xi32, #tpu.memory_space<hbm>> -> memref<250x80xi32, #tpu.memory_space<hbm>>
      %dma_start3A_53 = arith.constant 0 : i32
      %dma_start3A_54 = arith.constant 0 : i32
      %dma_start3A_55 = tpu.memref_slice %arg3[%arg0, %arg1, %dma_start3A_53, %dma_start3A_54] : memref<2x16x250x80xi32, #tpu.memory_space<hbm>> -> memref<1x1x250x80xi32, #tpu.memory_space<hbm>>
      %dma_start3A_56 = tpu.memref_squeeze %dma_start3A_55 : memref<1x1x250x80xi32, #tpu.memory_space<hbm>> -> memref<250x80xi32, #tpu.memory_space<hbm>>
      tpu.enqueue_dma source(%dma_start3A_56 : memref<250x80xi32, #tpu.memory_space<hbm>>) target(%arg6 : memref<250x80xi32, #tpu.memory_space<vmem>>) target_semaphore(%run_scoped3A : memref<!tpu.dma_semaphore, #tpu.memory_space<semaphore_mem>>)
      %dma_wait3A = arith.constant 0 : i32
      %dma_wait3A_57 = arith.constant 0 : i32
      %dma_wait3A_58 = tpu.memref_slice %arg3[%arg0, %arg1, %dma_wait3A, %dma_wait3A_57] : memref<2x16x250x80xi32, #tpu.memory_space<hbm>> -> memref<1x1x250x80xi32, #tpu.memory_space<hbm>>
      %dma_wait3A_59 = tpu.memref_squeeze %dma_wait3A_58 : memref<1x1x250x80xi32, #tpu.memory_space<hbm>> -> memref<250x80xi32, #tpu.memory_space<hbm>>
      %dma_wait3A_60 = arith.constant 0 : i32
      %dma_wait3A_61 = arith.constant 0 : i32
      %dma_wait3A_62 = tpu.memref_slice %arg3[%arg0, %arg1, %dma_wait3A_60, %dma_wait3A_61] : memref<2x16x250x80xi32, #tpu.memory_space<hbm>> -> memref<1x1x250x80xi32, #tpu.memory_space<hbm>>
      %dma_wait3A_63 = tpu.memref_squeeze %dma_wait3A_62 : memref<1x1x250x80xi32, #tpu.memory_space<hbm>> -> memref<250x80xi32, #tpu.memory_space<hbm>>
      tpu.wait_dma2 semaphore(%run_scoped3A : memref<!tpu.dma_semaphore, #tpu.memory_space<semaphore_mem>>) src(%dma_wait3A_63 : memref<250x80xi32, #tpu.memory_space<hbm>>) dst(%arg6 : memref<250x80xi32, #tpu.memory_space<vmem>>)
      tpu.yield
    }) : () -> ()
    "tpu.region"() ({
      %run_scoped3A = tpu.sem_alloc : memref<!tpu.dma_semaphore, #tpu.memory_space<semaphore_mem>>
      %dma_start3A = arith.constant 0 : i32
      %dma_start3A_50 = arith.constant 0 : i32
      %dma_start3A_51 = tpu.memref_slice %arg4[%arg1, %dma_start3A, %dma_start3A_50] : memref<16x250x80xi32, #tpu.memory_space<hbm>> -> memref<1x250x80xi32, #tpu.memory_space<hbm>>
      %dma_start3A_52 = tpu.memref_squeeze %dma_start3A_51 : memref<1x250x80xi32, #tpu.memory_space<hbm>> -> memref<250x80xi32, #tpu.memory_space<hbm>>
      %dma_start3A_53 = arith.constant 0 : i32
      %dma_start3A_54 = arith.constant 0 : i32
      %dma_start3A_55 = tpu.memref_slice %arg4[%arg1, %dma_start3A_53, %dma_start3A_54] : memref<16x250x80xi32, #tpu.memory_space<hbm>> -> memref<1x250x80xi32, #tpu.memory_space<hbm>>
      %dma_start3A_56 = tpu.memref_squeeze %dma_start3A_55 : memref<1x250x80xi32, #tpu.memory_space<hbm>> -> memref<250x80xi32, #tpu.memory_space<hbm>>
      tpu.enqueue_dma source(%dma_start3A_56 : memref<250x80xi32, #tpu.memory_space<hbm>>) target(%arg7 : memref<250x80xi32, #tpu.memory_space<vmem>>) target_semaphore(%run_scoped3A : memref<!tpu.dma_semaphore, #tpu.memory_space<semaphore_mem>>)
      %dma_wait3A = arith.constant 0 : i32
      %dma_wait3A_57 = arith.constant 0 : i32
      %dma_wait3A_58 = tpu.memref_slice %arg4[%arg1, %dma_wait3A, %dma_wait3A_57] : memref<16x250x80xi32, #tpu.memory_space<hbm>> -> memref<1x250x80xi32, #tpu.memory_space<hbm>>
      %dma_wait3A_59 = tpu.memref_squeeze %dma_wait3A_58 : memref<1x250x80xi32, #tpu.memory_space<hbm>> -> memref<250x80xi32, #tpu.memory_space<hbm>>
      %dma_wait3A_60 = arith.constant 0 : i32
      %dma_wait3A_61 = arith.constant 0 : i32
      %dma_wait3A_62 = tpu.memref_slice %arg4[%arg1, %dma_wait3A_60, %dma_wait3A_61] : memref<16x250x80xi32, #tpu.memory_space<hbm>> -> memref<1x250x80xi32, #tpu.memory_space<hbm>>
      %dma_wait3A_63 = tpu.memref_squeeze %dma_wait3A_62 : memref<1x250x80xi32, #tpu.memory_space<hbm>> -> memref<250x80xi32, #tpu.memory_space<hbm>>
      tpu.wait_dma2 semaphore(%run_scoped3A : memref<!tpu.dma_semaphore, #tpu.memory_space<semaphore_mem>>) src(%dma_wait3A_63 : memref<250x80xi32, #tpu.memory_space<hbm>>) dst(%arg7 : memref<250x80xi32, #tpu.memory_space<vmem>>)
      tpu.yield
    }) : () -> ()
    %scan3A_23 = arith.constant 0 : i32
    %scan3A_24 = arith.constant 0 : i32
    %scan3A_25 = arith.constant 250 : i32
    %scan3A_26 = arith.addi %scan3A_24, %scan3A_25 : i32
    %scan3A_27 = arith.constant 1 : i32
    scf.for %scan3A_50 = %scan3A_24 to %scan3A_26 step %scan3A_27  : i32 {
      %dma_start3A = arith.constant 0 : i32
      %dma_start3A_51 = tpu.memref_slice %arg6[%scan3A_50, %dma_start3A] : memref<250x80xi32, #tpu.memory_space<vmem>> -> memref<1x80xi32, #tpu.memory_space<vmem>>
      %dma_start3A_52 = tpu.memref_squeeze %dma_start3A_51 : memref<1x80xi32, #tpu.memory_space<vmem>> -> memref<80xi32, #tpu.memory_space<vmem>>
      %dma_start3A_53 = arith.constant 0 : i32
      %dma_start3A_54 = arith.constant 0 : i32
      %dma_start3A_55 = tpu.memref_slice %arg2[%dma_start3A_53, %dma_start3A_54] : memref<20000x64xf32, #tpu.memory_space<hbm>> -> memref<20000x64xf32, #tpu.memory_space<hbm>>
      tpu.enqueue_indirect_dma source(%dma_start3A_55 : memref<20000x64xf32, #tpu.memory_space<hbm>>) target(%arg8 : memref<80x64xf32, #tpu.memory_space<vmem>>) offsets(%dma_start3A_52 : memref<80xi32, #tpu.memory_space<vmem>>) semaphore(%arg11 : memref<!tpu.dma_semaphore, #tpu.memory_space<semaphore_mem>>)
      %dma_wait3A = arith.constant 0 : i32
      %dma_wait3A_56 = tpu.memref_slice %arg6[%scan3A_50, %dma_wait3A] : memref<250x80xi32, #tpu.memory_space<vmem>> -> memref<1x80xi32, #tpu.memory_space<vmem>>
      %dma_wait3A_57 = tpu.memref_squeeze %dma_wait3A_56 : memref<1x80xi32, #tpu.memory_space<vmem>> -> memref<80xi32, #tpu.memory_space<vmem>>
      %dma_wait3A_58 = arith.constant 0 : i32
      %dma_wait3A_59 = arith.constant 0 : i32
      %dma_wait3A_60 = tpu.memref_slice %arg2[%dma_wait3A_58, %dma_wait3A_59] : memref<20000x64xf32, #tpu.memory_space<hbm>> -> memref<20000x64xf32, #tpu.memory_space<hbm>>
      tpu.wait_indirect_dma semaphore(%arg11 : memref<!tpu.dma_semaphore, #tpu.memory_space<semaphore_mem>>) src(%dma_wait3A_60 : memref<20000x64xf32, #tpu.memory_space<hbm>>) dst(%arg8 : memref<80x64xf32, #tpu.memory_space<vmem>>)
      "tpu.region"() ({
        %run_scoped3A = tpu.sem_alloc : memref<!tpu.dma_semaphore, #tpu.memory_space<semaphore_mem>>
        %dma_start3A_61 = arith.constant 0 : i32
        %dma_start3A_62 = tpu.memref_slice %arg7[%scan3A_50, %dma_start3A_61] : memref<250x80xi32, #tpu.memory_space<vmem>> -> memref<1x80xi32, #tpu.memory_space<vmem>>
        %dma_start3A_63 = tpu.memref_squeeze %dma_start3A_62 : memref<1x80xi32, #tpu.memory_space<vmem>> -> memref<80xi32, #tpu.memory_space<vmem>>
        %dma_start3A_64 = arith.constant 0 : i32
        %dma_start3A_65 = arith.constant 0 : i32
        %dma_start3A_66 = tpu.memref_slice %arg10[%dma_start3A_64, %dma_start3A_65] : memref<10240x64xf32, #tpu.memory_space<vmem_shared>> -> memref<10240x64xf32, #tpu.memory_space<vmem_shared>>
        tpu.enqueue_indirect_dma source(%arg8 : memref<80x64xf32, #tpu.memory_space<vmem>>) target(%dma_start3A_66 : memref<10240x64xf32, #tpu.memory_space<vmem_shared>>) offsets(%dma_start3A_63 : memref<80xi32, #tpu.memory_space<vmem>>) semaphore(%run_scoped3A : memref<!tpu.dma_semaphore, #tpu.memory_space<semaphore_mem>>) {add = true}
        %dma_wait3A_67 = arith.constant 0 : i32
        %dma_wait3A_68 = tpu.memref_slice %arg7[%scan3A_50, %dma_wait3A_67] : memref<250x80xi32, #tpu.memory_space<vmem>> -> memref<1x80xi32, #tpu.memory_space<vmem>>
        %dma_wait3A_69 = tpu.memref_squeeze %dma_wait3A_68 : memref<1x80xi32, #tpu.memory_space<vmem>> -> memref<80xi32, #tpu.memory_space<vmem>>
        %dma_wait3A_70 = arith.constant 0 : i32
        %dma_wait3A_71 = arith.constant 0 : i32
        %dma_wait3A_72 = tpu.memref_slice %arg10[%dma_wait3A_70, %dma_wait3A_71] : memref<10240x64xf32, #tpu.memory_space<vmem_shared>> -> memref<10240x64xf32, #tpu.memory_space<vmem_shared>>
        tpu.wait_indirect_dma semaphore(%run_scoped3A : memref<!tpu.dma_semaphore, #tpu.memory_space<semaphore_mem>>) src(%arg8 : memref<80x64xf32, #tpu.memory_space<vmem>>) dst(%dma_wait3A_72 : memref<10240x64xf32, #tpu.memory_space<vmem_shared>>)
        tpu.yield
      }) : () -> ()
    }
    %scan3A_28 = arith.constant 250 : i32
    %barrier3A_29 = arith.constant 0 : index
    tpu.barrier barrier_id(%barrier3A_29)
    %mul3A_30 = arith.constant 640 : i32
    %mul3A_31 = arith.muli %arg1, %mul3A_30 : i32
    %add3A_32 = arith.constant 0 : i32
    %add3A_33 = arith.addi %mul3A_31, %add3A_32 : i32
    "tpu.region"() ({
      %run_scoped3A = tpu.sem_alloc : memref<!tpu.dma_semaphore, #tpu.memory_space<semaphore_mem>>
      %dma_start3A = arith.constant 0 : i32
      %dma_start3A_50 = tpu.memref_slice %arg10[%add3A_33, %dma_start3A] : memref<10240x64xf32, #tpu.memory_space<vmem_shared>> -> memref<128x64xf32, #tpu.memory_space<vmem_shared>>
      %dma_start3A_51 = arith.constant 0 : i32
      %dma_start3A_52 = tpu.memref_slice %arg10[%add3A_33, %dma_start3A_51] : memref<10240x64xf32, #tpu.memory_space<vmem_shared>> -> memref<128x64xf32, #tpu.memory_space<vmem_shared>>
      tpu.enqueue_dma source(%dma_start3A_52 : memref<128x64xf32, #tpu.memory_space<vmem_shared>>) target(%arg9 : memref<128x64xf32, #tpu.memory_space<vmem>>) target_semaphore(%run_scoped3A : memref<!tpu.dma_semaphore, #tpu.memory_space<semaphore_mem>>)
      %dma_wait3A = arith.constant 0 : i32
      %dma_wait3A_53 = tpu.memref_slice %arg10[%add3A_33, %dma_wait3A] : memref<10240x64xf32, #tpu.memory_space<vmem_shared>> -> memref<128x64xf32, #tpu.memory_space<vmem_shared>>
      %dma_wait3A_54 = arith.constant 0 : i32
      %dma_wait3A_55 = tpu.memref_slice %arg10[%add3A_33, %dma_wait3A_54] : memref<10240x64xf32, #tpu.memory_space<vmem_shared>> -> memref<128x64xf32, #tpu.memory_space<vmem_shared>>
      tpu.wait_dma2 semaphore(%run_scoped3A : memref<!tpu.dma_semaphore, #tpu.memory_space<semaphore_mem>>) src(%dma_wait3A_55 : memref<128x64xf32, #tpu.memory_space<vmem_shared>>) dst(%arg9 : memref<128x64xf32, #tpu.memory_space<vmem>>)
      tpu.yield
    }) : () -> ()
    "tpu.region"() ({
      %run_scoped3A = tpu.sem_alloc : memref<!tpu.dma_semaphore, #tpu.memory_space<semaphore_mem>>
      %dma_start3A = arith.constant 0 : i32
      %dma_start3A_50 = tpu.memref_slice %arg5[%arg0, %add3A_33, %dma_start3A] : memref<2x10240x64xf32, #tpu.memory_space<hbm>> -> memref<1x128x64xf32, #tpu.memory_space<hbm>>
      %dma_start3A_51 = tpu.memref_squeeze %dma_start3A_50 : memref<1x128x64xf32, #tpu.memory_space<hbm>> -> memref<128x64xf32, #tpu.memory_space<hbm>>
      %dma_start3A_52 = arith.constant 0 : i32
      %dma_start3A_53 = tpu.memref_slice %arg5[%arg0, %add3A_33, %dma_start3A_52] : memref<2x10240x64xf32, #tpu.memory_space<hbm>> -> memref<1x128x64xf32, #tpu.memory_space<hbm>>
      %dma_start3A_54 = tpu.memref_squeeze %dma_start3A_53 : memref<1x128x64xf32, #tpu.memory_space<hbm>> -> memref<128x64xf32, #tpu.memory_space<hbm>>
      tpu.enqueue_dma source(%arg9 : memref<128x64xf32, #tpu.memory_space<vmem>>) target(%dma_start3A_54 : memref<128x64xf32, #tpu.memory_space<hbm>>) target_semaphore(%run_scoped3A : memref<!tpu.dma_semaphore, #tpu.memory_space<semaphore_mem>>)
      %dma_wait3A = arith.constant 0 : i32
      %dma_wait3A_55 = tpu.memref_slice %arg5[%arg0, %add3A_33, %dma_wait3A] : memref<2x10240x64xf32, #tpu.memory_space<hbm>> -> memref<1x128x64xf32, #tpu.memory_space<hbm>>
      %dma_wait3A_56 = tpu.memref_squeeze %dma_wait3A_55 : memref<1x128x64xf32, #tpu.memory_space<hbm>> -> memref<128x64xf32, #tpu.memory_space<hbm>>
      %dma_wait3A_57 = arith.constant 0 : i32
      %dma_wait3A_58 = tpu.memref_slice %arg5[%arg0, %add3A_33, %dma_wait3A_57] : memref<2x10240x64xf32, #tpu.memory_space<hbm>> -> memref<1x128x64xf32, #tpu.memory_space<hbm>>
      %dma_wait3A_59 = tpu.memref_squeeze %dma_wait3A_58 : memref<1x128x64xf32, #tpu.memory_space<hbm>> -> memref<128x64xf32, #tpu.memory_space<hbm>>
      tpu.wait_dma2 semaphore(%run_scoped3A : memref<!tpu.dma_semaphore, #tpu.memory_space<semaphore_mem>>) src(%arg9 : memref<128x64xf32, #tpu.memory_space<vmem>>) dst(%dma_wait3A_59 : memref<128x64xf32, #tpu.memory_space<hbm>>)
      tpu.yield
    }) : () -> ()
    %mul3A_34 = arith.constant 640 : i32
    %mul3A_35 = arith.muli %arg1, %mul3A_34 : i32
    %add3A_36 = arith.constant 128 : i32
    %add3A_37 = arith.addi %mul3A_35, %add3A_36 : i32
    "tpu.region"() ({
      %run_scoped3A = tpu.sem_alloc : memref<!tpu.dma_semaphore, #tpu.memory_space<semaphore_mem>>
      %dma_start3A = arith.constant 0 : i32
      %dma_start3A_50 = tpu.memref_slice %arg10[%add3A_37, %dma_start3A] : memref<10240x64xf32, #tpu.memory_space<vmem_shared>> -> memref<128x64xf32, #tpu.memory_space<vmem_shared>>
      %dma_start3A_51 = arith.constant 0 : i32
      %dma_start3A_52 = tpu.memref_slice %arg10[%add3A_37, %dma_start3A_51] : memref<10240x64xf32, #tpu.memory_space<vmem_shared>> -> memref<128x64xf32, #tpu.memory_space<vmem_shared>>
      tpu.enqueue_dma source(%dma_start3A_52 : memref<128x64xf32, #tpu.memory_space<vmem_shared>>) target(%arg9 : memref<128x64xf32, #tpu.memory_space<vmem>>) target_semaphore(%run_scoped3A : memref<!tpu.dma_semaphore, #tpu.memory_space<semaphore_mem>>)
      %dma_wait3A = arith.constant 0 : i32
      %dma_wait3A_53 = tpu.memref_slice %arg10[%add3A_37, %dma_wait3A] : memref<10240x64xf32, #tpu.memory_space<vmem_shared>> -> memref<128x64xf32, #tpu.memory_space<vmem_shared>>
      %dma_wait3A_54 = arith.constant 0 : i32
      %dma_wait3A_55 = tpu.memref_slice %arg10[%add3A_37, %dma_wait3A_54] : memref<10240x64xf32, #tpu.memory_space<vmem_shared>> -> memref<128x64xf32, #tpu.memory_space<vmem_shared>>
      tpu.wait_dma2 semaphore(%run_scoped3A : memref<!tpu.dma_semaphore, #tpu.memory_space<semaphore_mem>>) src(%dma_wait3A_55 : memref<128x64xf32, #tpu.memory_space<vmem_shared>>) dst(%arg9 : memref<128x64xf32, #tpu.memory_space<vmem>>)
      tpu.yield
    }) : () -> ()
    "tpu.region"() ({
      %run_scoped3A = tpu.sem_alloc : memref<!tpu.dma_semaphore, #tpu.memory_space<semaphore_mem>>
      %dma_start3A = arith.constant 0 : i32
      %dma_start3A_50 = tpu.memref_slice %arg5[%arg0, %add3A_37, %dma_start3A] : memref<2x10240x64xf32, #tpu.memory_space<hbm>> -> memref<1x128x64xf32, #tpu.memory_space<hbm>>
      %dma_start3A_51 = tpu.memref_squeeze %dma_start3A_50 : memref<1x128x64xf32, #tpu.memory_space<hbm>> -> memref<128x64xf32, #tpu.memory_space<hbm>>
      %dma_start3A_52 = arith.constant 0 : i32
      %dma_start3A_53 = tpu.memref_slice %arg5[%arg0, %add3A_37, %dma_start3A_52] : memref<2x10240x64xf32, #tpu.memory_space<hbm>> -> memref<1x128x64xf32, #tpu.memory_space<hbm>>
      %dma_start3A_54 = tpu.memref_squeeze %dma_start3A_53 : memref<1x128x64xf32, #tpu.memory_space<hbm>> -> memref<128x64xf32, #tpu.memory_space<hbm>>
      tpu.enqueue_dma source(%arg9 : memref<128x64xf32, #tpu.memory_space<vmem>>) target(%dma_start3A_54 : memref<128x64xf32, #tpu.memory_space<hbm>>) target_semaphore(%run_scoped3A : memref<!tpu.dma_semaphore, #tpu.memory_space<semaphore_mem>>)
      %dma_wait3A = arith.constant 0 : i32
      %dma_wait3A_55 = tpu.memref_slice %arg5[%arg0, %add3A_37, %dma_wait3A] : memref<2x10240x64xf32, #tpu.memory_space<hbm>> -> memref<1x128x64xf32, #tpu.memory_space<hbm>>
      %dma_wait3A_56 = tpu.memref_squeeze %dma_wait3A_55 : memref<1x128x64xf32, #tpu.memory_space<hbm>> -> memref<128x64xf32, #tpu.memory_space<hbm>>
      %dma_wait3A_57 = arith.constant 0 : i32
      %dma_wait3A_58 = tpu.memref_slice %arg5[%arg0, %add3A_37, %dma_wait3A_57] : memref<2x10240x64xf32, #tpu.memory_space<hbm>> -> memref<1x128x64xf32, #tpu.memory_space<hbm>>
      %dma_wait3A_59 = tpu.memref_squeeze %dma_wait3A_58 : memref<1x128x64xf32, #tpu.memory_space<hbm>> -> memref<128x64xf32, #tpu.memory_space<hbm>>
      tpu.wait_dma2 semaphore(%run_scoped3A : memref<!tpu.dma_semaphore, #tpu.memory_space<semaphore_mem>>) src(%arg9 : memref<128x64xf32, #tpu.memory_space<vmem>>) dst(%dma_wait3A_59 : memref<128x64xf32, #tpu.memory_space<hbm>>)
      tpu.yield
    }) : () -> ()
    %mul3A_38 = arith.constant 640 : i32
    %mul3A_39 = arith.muli %arg1, %mul3A_38 : i32
    %add3A_40 = arith.constant 256 : i32
    %add3A_41 = arith.addi %mul3A_39, %add3A_40 : i32
    "tpu.region"() ({
      %run_scoped3A = tpu.sem_alloc : memref<!tpu.dma_semaphore, #tpu.memory_space<semaphore_mem>>
      %dma_start3A = arith.constant 0 : i32
      %dma_start3A_50 = tpu.memref_slice %arg10[%add3A_41, %dma_start3A] : memref<10240x64xf32, #tpu.memory_space<vmem_shared>> -> memref<128x64xf32, #tpu.memory_space<vmem_shared>>
      %dma_start3A_51 = arith.constant 0 : i32
      %dma_start3A_52 = tpu.memref_slice %arg10[%add3A_41, %dma_start3A_51] : memref<10240x64xf32, #tpu.memory_space<vmem_shared>> -> memref<128x64xf32, #tpu.memory_space<vmem_shared>>
      tpu.enqueue_dma source(%dma_start3A_52 : memref<128x64xf32, #tpu.memory_space<vmem_shared>>) target(%arg9 : memref<128x64xf32, #tpu.memory_space<vmem>>) target_semaphore(%run_scoped3A : memref<!tpu.dma_semaphore, #tpu.memory_space<semaphore_mem>>)
      %dma_wait3A = arith.constant 0 : i32
      %dma_wait3A_53 = tpu.memref_slice %arg10[%add3A_41, %dma_wait3A] : memref<10240x64xf32, #tpu.memory_space<vmem_shared>> -> memref<128x64xf32, #tpu.memory_space<vmem_shared>>
      %dma_wait3A_54 = arith.constant 0 : i32
      %dma_wait3A_55 = tpu.memref_slice %arg10[%add3A_41, %dma_wait3A_54] : memref<10240x64xf32, #tpu.memory_space<vmem_shared>> -> memref<128x64xf32, #tpu.memory_space<vmem_shared>>
      tpu.wait_dma2 semaphore(%run_scoped3A : memref<!tpu.dma_semaphore, #tpu.memory_space<semaphore_mem>>) src(%dma_wait3A_55 : memref<128x64xf32, #tpu.memory_space<vmem_shared>>) dst(%arg9 : memref<128x64xf32, #tpu.memory_space<vmem>>)
      tpu.yield
    }) : () -> ()
    "tpu.region"() ({
      %run_scoped3A = tpu.sem_alloc : memref<!tpu.dma_semaphore, #tpu.memory_space<semaphore_mem>>
      %dma_start3A = arith.constant 0 : i32
      %dma_start3A_50 = tpu.memref_slice %arg5[%arg0, %add3A_41, %dma_start3A] : memref<2x10240x64xf32, #tpu.memory_space<hbm>> -> memref<1x128x64xf32, #tpu.memory_space<hbm>>
      %dma_start3A_51 = tpu.memref_squeeze %dma_start3A_50 : memref<1x128x64xf32, #tpu.memory_space<hbm>> -> memref<128x64xf32, #tpu.memory_space<hbm>>
      %dma_start3A_52 = arith.constant 0 : i32
      %dma_start3A_53 = tpu.memref_slice %arg5[%arg0, %add3A_41, %dma_start3A_52] : memref<2x10240x64xf32, #tpu.memory_space<hbm>> -> memref<1x128x64xf32, #tpu.memory_space<hbm>>
      %dma_start3A_54 = tpu.memref_squeeze %dma_start3A_53 : memref<1x128x64xf32, #tpu.memory_space<hbm>> -> memref<128x64xf32, #tpu.memory_space<hbm>>
      tpu.enqueue_dma source(%arg9 : memref<128x64xf32, #tpu.memory_space<vmem>>) target(%dma_start3A_54 : memref<128x64xf32, #tpu.memory_space<hbm>>) target_semaphore(%run_scoped3A : memref<!tpu.dma_semaphore, #tpu.memory_space<semaphore_mem>>)
      %dma_wait3A = arith.constant 0 : i32
      %dma_wait3A_55 = tpu.memref_slice %arg5[%arg0, %add3A_41, %dma_wait3A] : memref<2x10240x64xf32, #tpu.memory_space<hbm>> -> memref<1x128x64xf32, #tpu.memory_space<hbm>>
      %dma_wait3A_56 = tpu.memref_squeeze %dma_wait3A_55 : memref<1x128x64xf32, #tpu.memory_space<hbm>> -> memref<128x64xf32, #tpu.memory_space<hbm>>
      %dma_wait3A_57 = arith.constant 0 : i32
      %dma_wait3A_58 = tpu.memref_slice %arg5[%arg0, %add3A_41, %dma_wait3A_57] : memref<2x10240x64xf32, #tpu.memory_space<hbm>> -> memref<1x128x64xf32, #tpu.memory_space<hbm>>
      %dma_wait3A_59 = tpu.memref_squeeze %dma_wait3A_58 : memref<1x128x64xf32, #tpu.memory_space<hbm>> -> memref<128x64xf32, #tpu.memory_space<hbm>>
      tpu.wait_dma2 semaphore(%run_scoped3A : memref<!tpu.dma_semaphore, #tpu.memory_space<semaphore_mem>>) src(%arg9 : memref<128x64xf32, #tpu.memory_space<vmem>>) dst(%dma_wait3A_59 : memref<128x64xf32, #tpu.memory_space<hbm>>)
      tpu.yield
    }) : () -> ()
    %mul3A_42 = arith.constant 640 : i32
    %mul3A_43 = arith.muli %arg1, %mul3A_42 : i32
    %add3A_44 = arith.constant 384 : i32
    %add3A_45 = arith.addi %mul3A_43, %add3A_44 : i32
    "tpu.region"() ({
      %run_scoped3A = tpu.sem_alloc : memref<!tpu.dma_semaphore, #tpu.memory_space<semaphore_mem>>
      %dma_start3A = arith.constant 0 : i32
      %dma_start3A_50 = tpu.memref_slice %arg10[%add3A_45, %dma_start3A] : memref<10240x64xf32, #tpu.memory_space<vmem_shared>> -> memref<128x64xf32, #tpu.memory_space<vmem_shared>>
      %dma_start3A_51 = arith.constant 0 : i32
      %dma_start3A_52 = tpu.memref_slice %arg10[%add3A_45, %dma_start3A_51] : memref<10240x64xf32, #tpu.memory_space<vmem_shared>> -> memref<128x64xf32, #tpu.memory_space<vmem_shared>>
      tpu.enqueue_dma source(%dma_start3A_52 : memref<128x64xf32, #tpu.memory_space<vmem_shared>>) target(%arg9 : memref<128x64xf32, #tpu.memory_space<vmem>>) target_semaphore(%run_scoped3A : memref<!tpu.dma_semaphore, #tpu.memory_space<semaphore_mem>>)
      %dma_wait3A = arith.constant 0 : i32
      %dma_wait3A_53 = tpu.memref_slice %arg10[%add3A_45, %dma_wait3A] : memref<10240x64xf32, #tpu.memory_space<vmem_shared>> -> memref<128x64xf32, #tpu.memory_space<vmem_shared>>
      %dma_wait3A_54 = arith.constant 0 : i32
      %dma_wait3A_55 = tpu.memref_slice %arg10[%add3A_45, %dma_wait3A_54] : memref<10240x64xf32, #tpu.memory_space<vmem_shared>> -> memref<128x64xf32, #tpu.memory_space<vmem_shared>>
      tpu.wait_dma2 semaphore(%run_scoped3A : memref<!tpu.dma_semaphore, #tpu.memory_space<semaphore_mem>>) src(%dma_wait3A_55 : memref<128x64xf32, #tpu.memory_space<vmem_shared>>) dst(%arg9 : memref<128x64xf32, #tpu.memory_space<vmem>>)
      tpu.yield
    }) : () -> ()
    "tpu.region"() ({
      %run_scoped3A = tpu.sem_alloc : memref<!tpu.dma_semaphore, #tpu.memory_space<semaphore_mem>>
      %dma_start3A = arith.constant 0 : i32
      %dma_start3A_50 = tpu.memref_slice %arg5[%arg0, %add3A_45, %dma_start3A] : memref<2x10240x64xf32, #tpu.memory_space<hbm>> -> memref<1x128x64xf32, #tpu.memory_space<hbm>>
      %dma_start3A_51 = tpu.memref_squeeze %dma_start3A_50 : memref<1x128x64xf32, #tpu.memory_space<hbm>> -> memref<128x64xf32, #tpu.memory_space<hbm>>
      %dma_start3A_52 = arith.constant 0 : i32
      %dma_start3A_53 = tpu.memref_slice %arg5[%arg0, %add3A_45, %dma_start3A_52] : memref<2x10240x64xf32, #tpu.memory_space<hbm>> -> memref<1x128x64xf32, #tpu.memory_space<hbm>>
      %dma_start3A_54 = tpu.memref_squeeze %dma_start3A_53 : memref<1x128x64xf32, #tpu.memory_space<hbm>> -> memref<128x64xf32, #tpu.memory_space<hbm>>
      tpu.enqueue_dma source(%arg9 : memref<128x64xf32, #tpu.memory_space<vmem>>) target(%dma_start3A_54 : memref<128x64xf32, #tpu.memory_space<hbm>>) target_semaphore(%run_scoped3A : memref<!tpu.dma_semaphore, #tpu.memory_space<semaphore_mem>>)
      %dma_wait3A = arith.constant 0 : i32
      %dma_wait3A_55 = tpu.memref_slice %arg5[%arg0, %add3A_45, %dma_wait3A] : memref<2x10240x64xf32, #tpu.memory_space<hbm>> -> memref<1x128x64xf32, #tpu.memory_space<hbm>>
      %dma_wait3A_56 = tpu.memref_squeeze %dma_wait3A_55 : memref<1x128x64xf32, #tpu.memory_space<hbm>> -> memref<128x64xf32, #tpu.memory_space<hbm>>
      %dma_wait3A_57 = arith.constant 0 : i32
      %dma_wait3A_58 = tpu.memref_slice %arg5[%arg0, %add3A_45, %dma_wait3A_57] : memref<2x10240x64xf32, #tpu.memory_space<hbm>> -> memref<1x128x64xf32, #tpu.memory_space<hbm>>
      %dma_wait3A_59 = tpu.memref_squeeze %dma_wait3A_58 : memref<1x128x64xf32, #tpu.memory_space<hbm>> -> memref<128x64xf32, #tpu.memory_space<hbm>>
      tpu.wait_dma2 semaphore(%run_scoped3A : memref<!tpu.dma_semaphore, #tpu.memory_space<semaphore_mem>>) src(%arg9 : memref<128x64xf32, #tpu.memory_space<vmem>>) dst(%dma_wait3A_59 : memref<128x64xf32, #tpu.memory_space<hbm>>)
      tpu.yield
    }) : () -> ()
    %mul3A_46 = arith.constant 640 : i32
    %mul3A_47 = arith.muli %arg1, %mul3A_46 : i32
    %add3A_48 = arith.constant 512 : i32
    %add3A_49 = arith.addi %mul3A_47, %add3A_48 : i32
    "tpu.region"() ({
      %run_scoped3A = tpu.sem_alloc : memref<!tpu.dma_semaphore, #tpu.memory_space<semaphore_mem>>
      %dma_start3A = arith.constant 0 : i32
      %dma_start3A_50 = tpu.memref_slice %arg10[%add3A_49, %dma_start3A] : memref<10240x64xf32, #tpu.memory_space<vmem_shared>> -> memref<128x64xf32, #tpu.memory_space<vmem_shared>>
      %dma_start3A_51 = arith.constant 0 : i32
      %dma_start3A_52 = tpu.memref_slice %arg10[%add3A_49, %dma_start3A_51] : memref<10240x64xf32, #tpu.memory_space<vmem_shared>> -> memref<128x64xf32, #tpu.memory_space<vmem_shared>>
      tpu.enqueue_dma source(%dma_start3A_52 : memref<128x64xf32, #tpu.memory_space<vmem_shared>>) target(%arg9 : memref<128x64xf32, #tpu.memory_space<vmem>>) target_semaphore(%run_scoped3A : memref<!tpu.dma_semaphore, #tpu.memory_space<semaphore_mem>>)
      %dma_wait3A = arith.constant 0 : i32
      %dma_wait3A_53 = tpu.memref_slice %arg10[%add3A_49, %dma_wait3A] : memref<10240x64xf32, #tpu.memory_space<vmem_shared>> -> memref<128x64xf32, #tpu.memory_space<vmem_shared>>
      %dma_wait3A_54 = arith.constant 0 : i32
      %dma_wait3A_55 = tpu.memref_slice %arg10[%add3A_49, %dma_wait3A_54] : memref<10240x64xf32, #tpu.memory_space<vmem_shared>> -> memref<128x64xf32, #tpu.memory_space<vmem_shared>>
      tpu.wait_dma2 semaphore(%run_scoped3A : memref<!tpu.dma_semaphore, #tpu.memory_space<semaphore_mem>>) src(%dma_wait3A_55 : memref<128x64xf32, #tpu.memory_space<vmem_shared>>) dst(%arg9 : memref<128x64xf32, #tpu.memory_space<vmem>>)
      tpu.yield
    }) : () -> ()
    "tpu.region"() ({
      %run_scoped3A = tpu.sem_alloc : memref<!tpu.dma_semaphore, #tpu.memory_space<semaphore_mem>>
      %dma_start3A = arith.constant 0 : i32
      %dma_start3A_50 = tpu.memref_slice %arg5[%arg0, %add3A_49, %dma_start3A] : memref<2x10240x64xf32, #tpu.memory_space<hbm>> -> memref<1x128x64xf32, #tpu.memory_space<hbm>>
      %dma_start3A_51 = tpu.memref_squeeze %dma_start3A_50 : memref<1x128x64xf32, #tpu.memory_space<hbm>> -> memref<128x64xf32, #tpu.memory_space<hbm>>
      %dma_start3A_52 = arith.constant 0 : i32
      %dma_start3A_53 = tpu.memref_slice %arg5[%arg0, %add3A_49, %dma_start3A_52] : memref<2x10240x64xf32, #tpu.memory_space<hbm>> -> memref<1x128x64xf32, #tpu.memory_space<hbm>>
      %dma_start3A_54 = tpu.memref_squeeze %dma_start3A_53 : memref<1x128x64xf32, #tpu.memory_space<hbm>> -> memref<128x64xf32, #tpu.memory_space<hbm>>
      tpu.enqueue_dma source(%arg9 : memref<128x64xf32, #tpu.memory_space<vmem>>) target(%dma_start3A_54 : memref<128x64xf32, #tpu.memory_space<hbm>>) target_semaphore(%run_scoped3A : memref<!tpu.dma_semaphore, #tpu.memory_space<semaphore_mem>>)
      %dma_wait3A = arith.constant 0 : i32
      %dma_wait3A_55 = tpu.memref_slice %arg5[%arg0, %add3A_49, %dma_wait3A] : memref<2x10240x64xf32, #tpu.memory_space<hbm>> -> memref<1x128x64xf32, #tpu.memory_space<hbm>>
      %dma_wait3A_56 = tpu.memref_squeeze %dma_wait3A_55 : memref<1x128x64xf32, #tpu.memory_space<hbm>> -> memref<128x64xf32, #tpu.memory_space<hbm>>
      %dma_wait3A_57 = arith.constant 0 : i32
      %dma_wait3A_58 = tpu.memref_slice %arg5[%arg0, %add3A_49, %dma_wait3A_57] : memref<2x10240x64xf32, #tpu.memory_space<hbm>> -> memref<1x128x64xf32, #tpu.memory_space<hbm>>
      %dma_wait3A_59 = tpu.memref_squeeze %dma_wait3A_58 : memref<1x128x64xf32, #tpu.memory_space<hbm>> -> memref<128x64xf32, #tpu.memory_space<hbm>>
      tpu.wait_dma2 semaphore(%run_scoped3A : memref<!tpu.dma_semaphore, #tpu.memory_space<semaphore_mem>>) src(%arg9 : memref<128x64xf32, #tpu.memory_space<vmem>>) dst(%dma_wait3A_59 : memref<128x64xf32, #tpu.memory_space<hbm>>)
      tpu.yield
    }) : () -> ()
    return
  }
}

module attributes {stable_mosaic.version = 14 : i64} {
  func.func @body(%arg0: i32, %arg1: memref<1x400x64xf32, #tpu.memory_space<vmem>>, %arg2: memref<1x400x64xf32, #tpu.memory_space<vmem>>, %arg3: memref<1x400x64xf32, #tpu.memory_space<vmem>>, %arg4: memref<1x400x64xf32, #tpu.memory_space<vmem>>, %arg5: memref<400x16xf32, #tpu.memory_space<vmem>>, %arg6: memref<1x128x128xf32, #tpu.memory_space<vmem>>, %arg7: memref<1x128x128xf32, #tpu.memory_space<vmem>>, %arg8: memref<1x128xf32, #tpu.memory_space<vmem>>, %arg9: memref<2x400x64xf32, #tpu.memory_space<vmem>>) attributes {dimension_semantics = [#tpu.dimension_semantics<arbitrary>], iteration_bounds = array<i64: 25>, scalar_prefetch = 0 : i64, scratch_operands = 0 : i64, tpu.core_type = #tpu.core_type<tc>, window_params = [{transform_indices = @transform_0, window_bounds = array<i64: 1, 400, 64>}, {transform_indices = @transform_1, window_bounds = array<i64: 1, 400, 64>}, {transform_indices = @transform_2, window_bounds = array<i64: 1, 400, 64>}, {transform_indices = @transform_3, window_bounds = array<i64: 1, 400, 64>}, {transform_indices = @transform_4, window_bounds = array<i64: 400, 16>}, {transform_indices = @transform_5, window_bounds = array<i64: 1, 128, 128>}, {transform_indices = @transform_6, window_bounds = array<i64: 1, 128, 128>}, {pipeline_mode = #tpu.pipeline_mode<synchronous>, transform_indices = @transform_7, window_bounds = array<i64: 1, 128>}, {transform_indices = @transform_8, window_bounds = array<i64: 2, 400, 64>}]} {
    %get3A = arith.constant 0 : index
    %get3A_0 = arith.constant 0 : index
    %get3A_1 = arith.constant 0 : index
    %get3A_2 = vector.load %arg1[%get3A, %get3A_0, %get3A_1] : memref<1x400x64xf32, #tpu.memory_space<vmem>>, vector<1x400x64xf32>
    %get3A_3 = vector.shape_cast %get3A_2 : vector<1x400x64xf32> to vector<400x64xf32>
    %get3A_4 = arith.constant 0 : index
    %get3A_5 = arith.constant 0 : index
    %get3A_6 = arith.constant 0 : index
    %get3A_7 = vector.load %arg2[%get3A_4, %get3A_5, %get3A_6] : memref<1x400x64xf32, #tpu.memory_space<vmem>>, vector<1x400x64xf32>
    %get3A_8 = vector.shape_cast %get3A_7 : vector<1x400x64xf32> to vector<400x64xf32>
    %concatenate3A = tpu.concatenate %get3A_3, %get3A_8 in 1 : vector<400x64xf32>, vector<400x64xf32> -> vector<400x128xf32>
    %get3A_9 = arith.constant 0 : index
    %get3A_10 = arith.constant 0 : index
    %get3A_11 = arith.constant 0 : index
    %get3A_12 = vector.load %arg3[%get3A_9, %get3A_10, %get3A_11] : memref<1x400x64xf32, #tpu.memory_space<vmem>>, vector<1x400x64xf32>
    %get3A_13 = vector.shape_cast %get3A_12 : vector<1x400x64xf32> to vector<400x64xf32>
    %get3A_14 = arith.constant 0 : index
    %get3A_15 = arith.constant 0 : index
    %get3A_16 = arith.constant 0 : index
    %get3A_17 = vector.load %arg4[%get3A_14, %get3A_15, %get3A_16] : memref<1x400x64xf32, #tpu.memory_space<vmem>>, vector<1x400x64xf32>
    %get3A_18 = vector.shape_cast %get3A_17 : vector<1x400x64xf32> to vector<400x64xf32>
    %concatenate3A_19 = tpu.concatenate %get3A_13, %get3A_18 in 1 : vector<400x64xf32>, vector<400x64xf32> -> vector<400x128xf32>
    %get3A_20 = arith.constant 0 : index
    %get3A_21 = arith.constant 0 : index
    %get3A_22 = vector.load %arg5[%get3A_20, %get3A_21] : memref<400x16xf32, #tpu.memory_space<vmem>>, vector<400x1xf32>
    %max3A = arith.constant 1.000000e+00 : f32
    %max3A_23 = vector.broadcast %max3A : f32 to vector<400x1xf32>
    %max3A_24 = arith.maximumf %get3A_22, %max3A_23 : vector<400x1xf32>
    %div3A = vector.broadcast %max3A_24 : vector<400x1xf32> to vector<400x128xf32>
    %div3A_25 = arith.divf %concatenate3A_19, %div3A : vector<400x128xf32>
    %get3A_26 = arith.constant 0 : index
    %get3A_27 = arith.constant 0 : index
    %get3A_28 = arith.constant 0 : index
    %get3A_29 = vector.load %arg6[%get3A_26, %get3A_27, %get3A_28] : memref<1x128x128xf32, #tpu.memory_space<vmem>>, vector<1x128x128xf32>
    %get3A_30 = vector.shape_cast %get3A_29 : vector<1x128x128xf32> to vector<128x128xf32>
    %dot_general3A = arith.constant dense<0.000000e+00> : vector<400x128xf32>
    %dot_general3A_31 = tpu.matmul %concatenate3A, %get3A_30, %dot_general3A {dimension_numbers = #tpu.dot_dimension_numbers<[1], [0], [0], [1], [0, 0, 1, 1], [], []>, transpose_lhs_hint = false} : vector<400x128xf32>, vector<128x128xf32>, vector<400x128xf32> -> vector<400x128xf32>
    %get3A_32 = arith.constant 0 : index
    %get3A_33 = arith.constant 0 : index
    %get3A_34 = arith.constant 0 : index
    %get3A_35 = vector.load %arg7[%get3A_32, %get3A_33, %get3A_34] : memref<1x128x128xf32, #tpu.memory_space<vmem>>, vector<1x128x128xf32>
    %get3A_36 = vector.shape_cast %get3A_35 : vector<1x128x128xf32> to vector<128x128xf32>
    %dot_general3A_37 = arith.constant dense<0.000000e+00> : vector<400x128xf32>
    %dot_general3A_38 = tpu.matmul %div3A_25, %get3A_36, %dot_general3A_37 {dimension_numbers = #tpu.dot_dimension_numbers<[1], [0], [0], [1], [0, 0, 1, 1], [], []>, transpose_lhs_hint = false} : vector<400x128xf32>, vector<128x128xf32>, vector<400x128xf32> -> vector<400x128xf32>
    %add3A = arith.addf %dot_general3A_31, %dot_general3A_38 : vector<400x128xf32>
    %get3A_39 = arith.constant 0 : index
    %get3A_40 = arith.constant 0 : index
    %get3A_41 = vector.load %arg8[%get3A_39, %get3A_40] : memref<1x128xf32, #tpu.memory_space<vmem>>, vector<1x128xf32>
    %add3A_42 = vector.broadcast %get3A_41 : vector<1x128xf32> to vector<400x128xf32>
    %add3A_43 = arith.addf %add3A, %add3A_42 : vector<400x128xf32>
    %max3A_44 = arith.constant 0.000000e+00 : f32
    %max3A_45 = vector.broadcast %max3A_44 : f32 to vector<400x128xf32>
    %max3A_46 = arith.maximumf %add3A_43, %max3A_45 : vector<400x128xf32>
    %slice3A = vector.extract_strided_slice %max3A_46 {offsets = [0, 0], sizes = [400, 64], strides = [1, 1]} : vector<400x128xf32> to vector<400x64xf32>
    %swap3A = arith.constant 0 : index
    %swap3A_47 = arith.constant 0 : index
    %swap3A_48 = arith.constant 0 : index
    %swap3A_49 = vector.load %arg9[%swap3A, %swap3A_47, %swap3A_48] : memref<2x400x64xf32, #tpu.memory_space<vmem>>, vector<1x400x64xf32>
    %swap3A_50 = vector.shape_cast %swap3A_49 : vector<1x400x64xf32> to vector<400x64xf32>
    %swap3A_51 = vector.shape_cast %slice3A : vector<400x64xf32> to vector<1x400x64xf32>
    tpu.vector_store %arg9[%swap3A, %swap3A_47, %swap3A_48], %swap3A_51 {strides = array<i32>} : memref<2x400x64xf32, #tpu.memory_space<vmem>>, vector<1x400x64xf32>,
    %slice3A_52 = vector.extract_strided_slice %max3A_46 {offsets = [0, 64], sizes = [400, 64], strides = [1, 1]} : vector<400x128xf32> to vector<400x64xf32>
    %swap3A_53 = arith.constant 1 : index
    %swap3A_54 = arith.constant 0 : index
    %swap3A_55 = arith.constant 0 : index
    %swap3A_56 = vector.load %arg9[%swap3A_53, %swap3A_54, %swap3A_55] : memref<2x400x64xf32, #tpu.memory_space<vmem>>, vector<1x400x64xf32>
    %swap3A_57 = vector.shape_cast %swap3A_56 : vector<1x400x64xf32> to vector<400x64xf32>
    %swap3A_58 = vector.shape_cast %slice3A_52 : vector<400x64xf32> to vector<1x400x64xf32>
    tpu.vector_store %arg9[%swap3A_53, %swap3A_54, %swap3A_55], %swap3A_58 {strides = array<i32>} : memref<2x400x64xf32, #tpu.memory_space<vmem>>, vector<1x400x64xf32>,
    return
  }
  func.func @transform_0(%arg0: i32) -> (i32, i32, i32) {
    %c0_i32 = arith.constant 0 : i32
    %c0_i32_0 = arith.constant 0 : i32
    %c0_i32_1 = arith.constant 0 : i32
    return %c0_i32, %arg0, %c0_i32_0 : i32, i32, i32
  }
  func.func @transform_1(%arg0: i32) -> (i32, i32, i32) {
    %c1_i32 = arith.constant 1 : i32
    %c0_i32 = arith.constant 0 : i32
    %c0_i32_0 = arith.constant 0 : i32
    return %c1_i32, %arg0, %c0_i32 : i32, i32, i32
  }
  func.func @transform_2(%arg0: i32) -> (i32, i32, i32) {
    %c0_i32 = arith.constant 0 : i32
    %c0_i32_0 = arith.constant 0 : i32
    %c0_i32_1 = arith.constant 0 : i32
    return %c0_i32, %arg0, %c0_i32_0 : i32, i32, i32
  }
  func.func @transform_3(%arg0: i32) -> (i32, i32, i32) {
    %c1_i32 = arith.constant 1 : i32
    %c0_i32 = arith.constant 0 : i32
    %c0_i32_0 = arith.constant 0 : i32
    return %c1_i32, %arg0, %c0_i32 : i32, i32, i32
  }
  func.func @transform_4(%arg0: i32) -> (i32, i32) {
    %c0_i32 = arith.constant 0 : i32
    %c0_i32_0 = arith.constant 0 : i32
    return %arg0, %c0_i32 : i32, i32
  }
  func.func @transform_5(%arg0: i32) -> (i32, i32, i32) {
    %c0_i32 = arith.constant 0 : i32
    %c0_i32_0 = arith.constant 0 : i32
    %c0_i32_1 = arith.constant 0 : i32
    %c0_i32_2 = arith.constant 0 : i32
    return %c0_i32, %c0_i32_0, %c0_i32_1 : i32, i32, i32
  }
  func.func @transform_6(%arg0: i32) -> (i32, i32, i32) {
    %c1_i32 = arith.constant 1 : i32
    %c0_i32 = arith.constant 0 : i32
    %c0_i32_0 = arith.constant 0 : i32
    %c0_i32_1 = arith.constant 0 : i32
    return %c1_i32, %c0_i32, %c0_i32_0 : i32, i32, i32
  }
  func.func @transform_7(%arg0: i32) -> (i32, i32) {
    %c0_i32 = arith.constant 0 : i32
    %c0_i32_0 = arith.constant 0 : i32
    %c0_i32_1 = arith.constant 0 : i32
    return %c0_i32, %c0_i32_0 : i32, i32
  }
  func.func @transform_8(%arg0: i32) -> (i32, i32, i32) {
    %c0_i32 = arith.constant 0 : i32
    %c0_i32_0 = arith.constant 0 : i32
    %c0_i32_1 = arith.constant 0 : i32
    return %c0_i32, %arg0, %c0_i32_0 : i32, i32, i32
  }
}

module attributes {stable_mosaic.version = 14 : i64} {
  func.func @body(%arg0: i32, %arg1: memref<1x400x64xf32, #tpu.memory_space<vmem>>, %arg2: memref<1x400x64xf32, #tpu.memory_space<vmem>>, %arg3: memref<1x400x64xf32, #tpu.memory_space<vmem>>, %arg4: memref<1x400x64xf32, #tpu.memory_space<vmem>>, %arg5: memref<400x16xf32, #tpu.memory_space<vmem>>, %arg6: memref<1x128x128xf32, #tpu.memory_space<vmem>>, %arg7: memref<1x128x128xf32, #tpu.memory_space<vmem>>, %arg8: memref<1x128xf32, #tpu.memory_space<vmem>>, %arg9: memref<400x128xf32, #tpu.memory_space<vmem>>) attributes {dimension_semantics = [#tpu.dimension_semantics<arbitrary>], iteration_bounds = array<i64: 25>, scalar_prefetch = 0 : i64, scratch_operands = 0 : i64, tpu.core_type = #tpu.core_type<tc>, window_params = [{transform_indices = @transform_0, window_bounds = array<i64: 1, 400, 64>}, {transform_indices = @transform_1, window_bounds = array<i64: 1, 400, 64>}, {transform_indices = @transform_2, window_bounds = array<i64: 1, 400, 64>}, {transform_indices = @transform_3, window_bounds = array<i64: 1, 400, 64>}, {transform_indices = @transform_4, window_bounds = array<i64: 400, 16>}, {transform_indices = @transform_5, window_bounds = array<i64: 1, 128, 128>}, {transform_indices = @transform_6, window_bounds = array<i64: 1, 128, 128>}, {pipeline_mode = #tpu.pipeline_mode<synchronous>, transform_indices = @transform_7, window_bounds = array<i64: 1, 128>}, {transform_indices = @transform_8, window_bounds = array<i64: 400, 128>}]} {
    %get3A = arith.constant 0 : index
    %get3A_0 = arith.constant 0 : index
    %get3A_1 = arith.constant 0 : index
    %get3A_2 = vector.load %arg1[%get3A, %get3A_0, %get3A_1] : memref<1x400x64xf32, #tpu.memory_space<vmem>>, vector<1x400x64xf32>
    %get3A_3 = vector.shape_cast %get3A_2 : vector<1x400x64xf32> to vector<400x64xf32>
    %get3A_4 = arith.constant 0 : index
    %get3A_5 = arith.constant 0 : index
    %get3A_6 = arith.constant 0 : index
    %get3A_7 = vector.load %arg2[%get3A_4, %get3A_5, %get3A_6] : memref<1x400x64xf32, #tpu.memory_space<vmem>>, vector<1x400x64xf32>
    %get3A_8 = vector.shape_cast %get3A_7 : vector<1x400x64xf32> to vector<400x64xf32>
    %concatenate3A = tpu.concatenate %get3A_3, %get3A_8 in 1 : vector<400x64xf32>, vector<400x64xf32> -> vector<400x128xf32>
    %get3A_9 = arith.constant 0 : index
    %get3A_10 = arith.constant 0 : index
    %get3A_11 = arith.constant 0 : index
    %get3A_12 = vector.load %arg3[%get3A_9, %get3A_10, %get3A_11] : memref<1x400x64xf32, #tpu.memory_space<vmem>>, vector<1x400x64xf32>
    %get3A_13 = vector.shape_cast %get3A_12 : vector<1x400x64xf32> to vector<400x64xf32>
    %get3A_14 = arith.constant 0 : index
    %get3A_15 = arith.constant 0 : index
    %get3A_16 = arith.constant 0 : index
    %get3A_17 = vector.load %arg4[%get3A_14, %get3A_15, %get3A_16] : memref<1x400x64xf32, #tpu.memory_space<vmem>>, vector<1x400x64xf32>
    %get3A_18 = vector.shape_cast %get3A_17 : vector<1x400x64xf32> to vector<400x64xf32>
    %concatenate3A_19 = tpu.concatenate %get3A_13, %get3A_18 in 1 : vector<400x64xf32>, vector<400x64xf32> -> vector<400x128xf32>
    %get3A_20 = arith.constant 0 : index
    %get3A_21 = arith.constant 0 : index
    %get3A_22 = vector.load %arg5[%get3A_20, %get3A_21] : memref<400x16xf32, #tpu.memory_space<vmem>>, vector<400x1xf32>
    %max3A = arith.constant 1.000000e+00 : f32
    %max3A_23 = vector.broadcast %max3A : f32 to vector<400x1xf32>
    %max3A_24 = arith.maximumf %get3A_22, %max3A_23 : vector<400x1xf32>
    %div3A = vector.broadcast %max3A_24 : vector<400x1xf32> to vector<400x128xf32>
    %div3A_25 = arith.divf %concatenate3A_19, %div3A : vector<400x128xf32>
    %get3A_26 = arith.constant 0 : index
    %get3A_27 = arith.constant 0 : index
    %get3A_28 = arith.constant 0 : index
    %get3A_29 = vector.load %arg6[%get3A_26, %get3A_27, %get3A_28] : memref<1x128x128xf32, #tpu.memory_space<vmem>>, vector<1x128x128xf32>
    %get3A_30 = vector.shape_cast %get3A_29 : vector<1x128x128xf32> to vector<128x128xf32>
    %dot_general3A = arith.constant dense<0.000000e+00> : vector<400x128xf32>
    %dot_general3A_31 = tpu.matmul %concatenate3A, %get3A_30, %dot_general3A {dimension_numbers = #tpu.dot_dimension_numbers<[1], [0], [0], [1], [0, 0, 1, 1], [], []>, transpose_lhs_hint = false} : vector<400x128xf32>, vector<128x128xf32>, vector<400x128xf32> -> vector<400x128xf32>
    %get3A_32 = arith.constant 0 : index
    %get3A_33 = arith.constant 0 : index
    %get3A_34 = arith.constant 0 : index
    %get3A_35 = vector.load %arg7[%get3A_32, %get3A_33, %get3A_34] : memref<1x128x128xf32, #tpu.memory_space<vmem>>, vector<1x128x128xf32>
    %get3A_36 = vector.shape_cast %get3A_35 : vector<1x128x128xf32> to vector<128x128xf32>
    %dot_general3A_37 = arith.constant dense<0.000000e+00> : vector<400x128xf32>
    %dot_general3A_38 = tpu.matmul %div3A_25, %get3A_36, %dot_general3A_37 {dimension_numbers = #tpu.dot_dimension_numbers<[1], [0], [0], [1], [0, 0, 1, 1], [], []>, transpose_lhs_hint = false} : vector<400x128xf32>, vector<128x128xf32>, vector<400x128xf32> -> vector<400x128xf32>
    %add3A = arith.addf %dot_general3A_31, %dot_general3A_38 : vector<400x128xf32>
    %get3A_39 = arith.constant 0 : index
    %get3A_40 = arith.constant 0 : index
    %get3A_41 = vector.load %arg8[%get3A_39, %get3A_40] : memref<1x128xf32, #tpu.memory_space<vmem>>, vector<1x128xf32>
    %add3A_42 = vector.broadcast %get3A_41 : vector<1x128xf32> to vector<400x128xf32>
    %add3A_43 = arith.addf %add3A, %add3A_42 : vector<400x128xf32>
    %swap3A = arith.constant 0 : index
    %swap3A_44 = arith.constant 0 : index
    %swap3A_45 = vector.load %arg9[%swap3A, %swap3A_44] : memref<400x128xf32, #tpu.memory_space<vmem>>, vector<400x128xf32>
    tpu.vector_store %arg9[%swap3A, %swap3A_44], %add3A_43 {strides = array<i32>} : memref<400x128xf32, #tpu.memory_space<vmem>>, vector<400x128xf32>,
    return
  }
  func.func @transform_0(%arg0: i32) -> (i32, i32, i32) {
    %c0_i32 = arith.constant 0 : i32
    %c0_i32_0 = arith.constant 0 : i32
    %c0_i32_1 = arith.constant 0 : i32
    return %c0_i32, %arg0, %c0_i32_0 : i32, i32, i32
  }
  func.func @transform_1(%arg0: i32) -> (i32, i32, i32) {
    %c1_i32 = arith.constant 1 : i32
    %c0_i32 = arith.constant 0 : i32
    %c0_i32_0 = arith.constant 0 : i32
    return %c1_i32, %arg0, %c0_i32 : i32, i32, i32
  }
  func.func @transform_2(%arg0: i32) -> (i32, i32, i32) {
    %c0_i32 = arith.constant 0 : i32
    %c0_i32_0 = arith.constant 0 : i32
    %c0_i32_1 = arith.constant 0 : i32
    return %c0_i32, %arg0, %c0_i32_0 : i32, i32, i32
  }
  func.func @transform_3(%arg0: i32) -> (i32, i32, i32) {
    %c1_i32 = arith.constant 1 : i32
    %c0_i32 = arith.constant 0 : i32
    %c0_i32_0 = arith.constant 0 : i32
    return %c1_i32, %arg0, %c0_i32 : i32, i32, i32
  }
  func.func @transform_4(%arg0: i32) -> (i32, i32) {
    %c0_i32 = arith.constant 0 : i32
    %c0_i32_0 = arith.constant 0 : i32
    return %arg0, %c0_i32 : i32, i32
  }
  func.func @transform_5(%arg0: i32) -> (i32, i32, i32) {
    %c0_i32 = arith.constant 0 : i32
    %c0_i32_0 = arith.constant 0 : i32
    %c0_i32_1 = arith.constant 0 : i32
    %c0_i32_2 = arith.constant 0 : i32
    return %c0_i32, %c0_i32_0, %c0_i32_1 : i32, i32, i32
  }
  func.func @transform_6(%arg0: i32) -> (i32, i32, i32) {
    %c1_i32 = arith.constant 1 : i32
    %c0_i32 = arith.constant 0 : i32
    %c0_i32_0 = arith.constant 0 : i32
    %c0_i32_1 = arith.constant 0 : i32
    return %c1_i32, %c0_i32, %c0_i32_0 : i32, i32, i32
  }
  func.func @transform_7(%arg0: i32) -> (i32, i32) {
    %c0_i32 = arith.constant 0 : i32
    %c0_i32_0 = arith.constant 0 : i32
    %c0_i32_1 = arith.constant 0 : i32
    return %c0_i32, %c0_i32_0 : i32, i32
  }
  func.func @transform_8(%arg0: i32) -> (i32, i32) {
    %c0_i32 = arith.constant 0 : i32
    %c0_i32_0 = arith.constant 0 : i32
    return %arg0, %c0_i32 : i32, i32
  }
}

</mosaic_0001>

<sc_bundles>
// kernel: kernel.6.cloned.1.call-start
scs
__scs_entry_jumppad:
0x0: {  	(pc) =	sbr.rel $0x88, $3  }
0x1: {  	(tag) =	ssettag $0x0;
	lr =	simm.s32 $0x1  }
0x2: {  	[smem:$0x3F9B] =	sst lr;
	_ =	strace $0xD0000000  }
0x3: {  	_ = 	snop  }
0x4: {  	_ = 	snop  }
0x5: {  	_ = 	snop  }
0x6: {  	_ = 	snop  }
0x7: {  	_ = 	snop  }
__scs_overlays_trampoline_lowered:
0x8: {  	[smem:$0x3FAA] =	sst s0  }
0x9: {  	[smem:$0x3FAB] =	sst s1  }
0xa: {  	[smem:$0x3FAC] =	sst s2  }
0xb: {  	[smem:$0x3FAD] =	sst s3  }
0xc: {  	[smem:$0x3FAE] =	sst s4  }
0xd: {  	[smem:$0x3FAF] =	sst s5  }
0xe: {  	[smem:$0x3FB0] =	sst s6  }
0xf: {  	[smem:$0x3FB1] =	sst s7  }
0x10: {  	[smem:$0x3FB2] =	sst s8  }
0x11: {  	[smem:$0x3FB3] =	sst s9;
	s0 =	simm.s32 @!p0 $0x0  }
0x12: {  	s1 =	sld [smem:$0x3F99];
	s0 =	simm.s32 @p0 $0x1  }
0x13: {  	[smem:$0x3FB4] =	sst s0;
	s0 =	simm.s32 @!p1 $0x0  }
0x14: {  	s2 =	sld [smem:$0x3F98];
	s0 =	simm.s32 @p1 $0x1  }
0x15: {  	[smem:$0x3FB5] =	sst s0;
	s0 =	simm.s32 @!p2 $0x0  }
0x16: {  	s3 =	sld [smem:$0x3FDB];
	s0 =	simm.s32 @p2 $0x1  }
0x17: {  	s4 =	simm.s32 $0x1BF5;
	[smem:$0x3FB7] =	sst s0  }
0x18: {  	s0 =	sld [smem:$0x3F9A];
	_ =	swait.ge [sflag:s4], $0x0  }
0x19: {  	s7 =	sld [smem:$0x3F9B]  }
0x1a: {  	s8 =	sadd.s32 $0xFFFFE003, lr  }
0x1b: {  	s9 =	sadd.s32 $0xFFFFFEF7, lr;
	s5 =	simm.s32 $0xFFFFFFFF;
	p2 =	slt.u32 s8, $0xFFFFF086  }
0x1c: {  	p1 =	slt.u32 s9, $0xF7A;
	s5 =	simm.s32 @!p2 $0x0  }
0x1d: {  	s5 =	simm.s32 @p1 $0x1;
	p0 =	seq.s32 s7, s2  }
0x1e: {  	s7 =	smul.u32 @!p0 $0xF7A, s2;
	p2 =	seq.s32 @!p0 s5, $0x0  }
0x1f: {  	s9 =	smul.u32 $0xF7A, s1;
	s8 =	simm.s32 @!p0 $0x1BF5;
	p2 =	por !p2, p0  }
0x20: {  	[sflag:s8] =	ssyncset.s32 @!p0 $0xFFFFF086;
	s6 =	sadd.s32 @!p0 s3, s7;
	s7 =	simm.s32 @!p0 $0x108  }
0x21: {  	s3 =	sadd.s32 s3, s9;
	s6 =	sadd.s32 @!p0 $0x88, s6;
	s7 =	simm.s32 @p2 $0x1082  }
0x22: {  	[simem:s7], [sflag:s8] =	dma.local @!p0 [hbm:s6], $0xF7A  }
0x23: {  	s9 =	sor.u32 $0xD0000000, s2;
	s6 =	simm.s32 $0x108;
	_ =	swait.ge @!p0 [sflag:s8], $0x0  }
0x24: {  	s3 =	sadd.s32 $0x88, s3;
	s6 =	simm.s32 @!p1 $0x1082;
	[sflag:s4] =	ssyncset.s32 $0xFFFFF086  }
0x25: {  	[simem:s6], [sflag:s4] =	dma.local [hbm:s3], $0xF7A  }
0x26: {  	[smem:$0x3F9B] =	sst s1;
	(tag) =	ssettag s2;
	_ =	strace s9  }
0x27: {  	s1 =	sld [smem:$0x3FAB]  }
0x28: {  	s2 =	sld [smem:$0x3FAC]  }
0x29: {  	s4 =	sld [smem:$0x3FAE]  }
0x2a: {  	p0 =	seq.s32 s5, $0x0;
	s5 =	sld [smem:$0x3FAF]  }
0x2b: {  	s6 =	sld [smem:$0x3FB0]  }
0x2c: {  	s7 =	sld [smem:$0x3FB1]  }
0x2d: {  	s3 =	simm.s32 $0x108;
	s8 =	sld [smem:$0x3FB2]  }
0x2e: {  	s3 =	simm.s32 @!p0 $0x1082;
	s9 =	sld [smem:$0x3FB3]  }
0x2f: {  	lr =	sadd.s32 s0, s3;
	s0 =	sld [smem:$0x3FAA]  }
0x30: {  	s3 =	sld [smem:$0x3FAD]  }
0x31: {  	[smem:$0x3FB6] =	sst s10  }
0x32: {  	s10 =	sld [smem:$0x3FB4];
	_ =	sdelay $0x3  }
0x33: {  	p0 =	seq.s32 s10, $0x1;
	s10 =	sld [smem:$0x3FB6];
	_ =	sdelay $0x3  }
0x34: {  	[smem:$0x3FB6] =	sst s10  }
0x35: {  	s10 =	sld [smem:$0x3FB5];
	_ =	sdelay $0x3  }
0x36: {  	p1 =	seq.s32 s10, $0x1;
	s10 =	sld [smem:$0x3FB6];
	_ =	sdelay $0x3  }
0x37: {  	[smem:$0x3FB6] =	sst s10  }
0x38: {  	s10 =	sld [smem:$0x3FB7]  }
0x39: {  	_ = 	snop;
	(pc) =	sbr.ind lr, $3  }
0x3a: {  	_ = 	snop  }
0x3b: {  	_ = 	snop  }
0x3c: {  	p2 =	seq.s32 s10, $0x1;
	s10 =	sld [smem:$0x3FB6]  }
0x3d: {  	_ =	shalt  }
0x3e: {  	_ =	shalt  }
0x3f: {  	_ =	shalt  }
0x40: {  	_ =	shalt  }
0x41: {  	_ =	shalt  }
0x42: {  	_ =	shalt  }
0x43: {  	_ =	shalt  }
0x44: {  	_ =	shalt  }
0x45: {  	_ =	shalt  }
0x46: {  	_ =	shalt  }
0x47: {  	_ =	shalt  }
0x48: {  	_ =	shalt  }
0x49: {  	_ =	shalt  }
0x4a: {  	_ =	shalt  }
0x4b: {  	_ =	shalt  }
0x4c: {  	_ =	shalt  }
0x4d: {  	_ =	shalt  }
0x4e: {  	_ =	shalt  }
0x4f: {  	_ =	shalt  }
0x50: {  	_ =	shalt  }
0x51: {  	_ =	shalt  }
0x52: {  	_ =	shalt  }
0x53: {  	_ =	shalt  }
0x54: {  	_ =	shalt  }
0x55: {  	_ =	shalt  }
0x56: {  	_ =	shalt  }
0x57: {  	_ =	shalt  }
0x58: {  	_ =	shalt  }
0x59: {  	_ =	shalt  }
0x5a: {  	_ =	shalt  }
0x5b: {  	_ =	shalt  }
0x5c: {  	_ =	shalt  }
0x5d: {  	_ =	shalt  }
0x5e: {  	_ =	shalt  }
0x5f: {  	_ =	shalt  }
0x60: {  	_ =	shalt  }
0x61: {  	_ =	shalt  }
0x62: {  	_ =	shalt  }
0x63: {  	_ =	shalt  }
0x64: {  	_ =	shalt  }
0x65: {  	_ =	shalt  }
0x66: {  	_ =	shalt  }
0x67: {  	_ =	shalt  }
0x68: {  	_ =	shalt  }
0x69: {  	_ =	shalt  }
0x6a: {  	_ =	shalt  }
0x6b: {  	_ =	shalt  }
0x6c: {  	_ =	shalt  }
0x6d: {  	_ =	shalt  }
0x6e: {  	_ =	shalt  }
0x6f: {  	_ =	shalt  }
0x70: {  	_ =	shalt  }
0x71: {  	_ =	shalt  }
0x72: {  	_ =	shalt  }
0x73: {  	_ =	shalt  }
0x74: {  	_ =	shalt  }
0x75: {  	_ =	shalt  }
0x76: {  	_ =	shalt  }
0x77: {  	_ =	shalt  }
0x78: {  	_ =	shalt  }
0x79: {  	_ =	shalt  }
0x7a: {  	_ =	shalt  }
0x7b: {  	_ =	shalt  }
0x7c: {  	_ =	shalt  }
0x7d: {  	_ =	shalt  }
0x7e: {  	_ =	shalt  }
0x7f: {  	_ =	shalt  }
0x80: {  	_ =	shalt  }
0x81: {  	_ =	shalt  }
0x82: {  	_ =	shalt  }
0x83: {  	_ =	shalt  }
0x84: {  	_ =	shalt  }
0x85: {  	_ =	shalt  }
0x86: {  	_ =	shalt  }
0x87: {  	_ =	shalt  }
.Lfunc_end0:
.L_simem_size_0:
called_computation_lowered:
.L_overlay_start_0:
0x88: {  	s2 =	sld [smem:$0x3FD9]  }
0x89: {  	s3 =	sld [smem:$0x3FFE];
	_ =	sdelay $0x1  }
0x8a: {  	s1 =	srdreg.scid  }
0x8b: {  	s0 =	sand.u32 $0x1, s1  }
0x8c: {  	s17 =	sshll.u32 s0, $0xA;
	s2 =	sadd.s32 s3, s2  }
0x8d: {  	s2 =	sadd.s32 s2, s17  }
0x8e: {  	[smem:$0x3FC2] =	sst s2  }
0x8f: {  	_ = 	snop  }
0x90: {  	s2 =	sld [smem:$0x3FD0];
	(tm) =	ssettm $0x1  }
0x91: {  	s18 =	sld [smem:$0x3FFB];
	_ =	sdelay $0x3  }
0x92: {  	_ =	strace s18  }
0x93: {  	s3 =	sld [smem:$0x3FFC];
	_ =	sdelay $0x3  }
0x94: {  	_ =	strace s3  }
0x95: {  	s3 =	sld [smem:$0x3FFD];
	_ =	sdelay $0x3  }
0x96: {  	_ =	strace s3  }
0x97: {  	_ =	strace $0x8FFFFFFF  }
0x98: {  	s19 =	sld [smem:$0x3FDB];
	_ =	sdelay $0x1  }
0x99: {  	s4 =	simm.s32 $_scs_section_size  }
0x9a: {  	s5 =	simm.s32 $_size__tile_overlayer_lowered;
	s6 =	simm.s32 $_tile_overlayer_lowered  }
0x9b: {  	s22 =	simm.s32 $0x1BFF;
	s21 =	sshll.u32 s6, $0x1;
	s3 =	sadd.s32 s4, s19  }
0x9c: {  	s7 =	simm.s32 $0x0;
	s20 =	sshll.u32 s5, $0x1;
	s5 =	sadd.s32 s21, s3  }
0x9d: {  	[timem:s7], [sflag:s22] =	dma.local [hbm:s5], s20  }
0x9e: {  	_ =	swait.ge [sflag:s22], s20  }
0x9f: {  	s4 =	ssub.s32 $0x0, s20;
	[sflag:s22] =	ssyncset.done $0x0  }
0xa0: {  	[sflag:s22] =	ssyncadd.s32 s4;
	_ =	sdelay $0x1  }
0xa1: {  	s23 =	simm.s32 $0x1B8B  }
0xa2: {  	_ =	swait.ge [sflag:s23], $0x1  }
0xa3: {  	[sflag:s23] =	ssyncset.done $0x0  }
0xa4: {  	s25 =	simm.s32 $0x1B8E;
	s24 =	sld [smem:$0x3FFE];
	[sflag:s23] =	ssyncadd.s32 $0xFFFFFFFF  }
0xa5: {  	s26 =	simm.s32 $execute0_lowered;
	[smem:$0x3FD2] =	sst s25  }
0xa6: {  	s5 =	sshll.u32 s26, $0x1;
	_ =	strace $0x80000046;
	[dreg:$0x1] =	wrdreg $0xFFFFFFFF  }
0xa7: {  	s28 =	simm.s32 $_size_execute0_lowered;
	s3 =	sadd.s32 s3, s5;
	[dreg:$0x0] =	wrdreg $0x0  }
0xa8: {  	s5 =	sshll.u32 s28, $0x1;
	[dreg:$0x2] =	wrdreg s3  }
0xa9: {  	[dreg:$0x3] =	wrdreg s5  }
0xaa: {  	[dreg:$0x4] =	wrdreg $0xC0  }
0xab: {  	_ =	task [dreg:s7], $0x5FFFF  }
0xac: {  	[dreg:$0x1] =	wrdreg $0xFFFFFFFF  }
0xad: {  	[dreg:$0x0] =	wrdreg $0x60  }
0xae: {  	[dreg:$0x2] =	wrdreg s2  }
0xaf: {  	[dreg:$0x3] =	wrdreg s24  }
0xb0: {  	[dreg:$0x4] =	wrdreg $0xD0400  }
0xb1: {  	[dreg:$0x5] =	wrdreg $0x17D400  }
0xb2: {  	[dreg:$0x6] =	wrdreg $0x9  }
0xb3: {  	_ =	task.clear_ibuf [dreg:s7], $0x7FFFF;
	_ =	strace $0x90000046  }
0xb4: {  	s29 =	simm.s32 $0x9;
	_ =	strace $0x80000048  }
0xb5: {  	_ =	swait.ge [sflag:s29], $0x1  }
0xb6: {  	[sflag:s29] =	ssyncadd.s32 $0xFFFFFFFF  }
0xb7: {  	_ =	strace $0x90000048  }
0xb8: {  	_ =	sfence  }
0xb9: {  	s30 =	sld [smem:$0x0];
	_ =	sdelay $0x2  }
0xba: {  	s31 =	sshll.u32 s1, $0xD;
	s1 =	sshrl.u32 s1, $0x2  }
0xbb: {  	s3 =	sand.u32 $0x4000, s31;
	s1 =	sadd.s32 s1, s30  }
0xbc: {  	s0 =	sor.u32 s3, s0;
	s1 =	sshll.u32 s1, $0x11  }
0xbd: {  	s0 =	sor.u32 s1, s0  }
0xbe: {  	s0 =	sadd.s32 $0x8F2B, s0  }
0xbf: {  	[sflag:s0] =	ssyncadd.remote.s32 $0x1  }
0xc0: {  	_ =	sfence.sel $0xFFFF  }
0xc1: {  	[dreg:$0x0] =	wrdreg $0xFFFFFFFF;
	(pc) =	sbr.abs _section_cstart, $3  }
0xc2: {  	[dreg:$0x1] =	wrdreg $0xFFFFFFFF  }
0xc3: {  	_ =	task.clear_ibuf [dreg:s7], $0x2FFFF;
	_ =	strace $0x9FFFFFFF  }
0xc4: {  	(tm) =	ssettm $0x7FFFFFFF  }
0xc5: {  	_ =	shalt  }
tec
execute0_lowered:
.L_overlay_start_1:
0x0: {  	(tag) =	ssettag $0x1  }
0x1: {  	s0 =	srdreg.scid;
	s17 =	stileid.u32  }
0x2: {  	s1 =	rddreg [dreg:$0x0];
	s19 =	smul.u32 $0x4E20, s17  }
0x3: {  	s6 =	rddreg [dreg:$0x1];
	s10 =	smul.u32 $0x280, s17  }
0x4: {  	s3 =	rddreg [dreg:$0x2];
	s5 =	sand.u32 $0x1, s0;
	s29 =	smul.u32 $0x2800, s17  }
0x5: {  	s4 =	rddreg [dreg:$0x3];
	s31 =	simm.s32 $0xB040;
	s2 =	smul.u32 $0x4E200, s5  }
0x6: {  	s8 =	sadd.s32 $0x71C00, s6;
	s20 =	ssub.s32 $0x2, s5;
	s13 =	smul.u32 $0xA0000, s5  }
0x7: {  	p0 =	sne.s32 s5, $0x0;
	s5 =	simm.s32 $0x9C40;
	s7 =	sshrl.u32 s19, $0x3  }
0x8: {  	s9 =	sshrl.u32 s20, $0x1;
	s11 =	sadd.s32 $0x80, s10;
	s12 =	sadd.s32 $0x100, s10  }
0x9: {  	s14 =	sadd.s32 $0x180, s10;
	s10 =	sadd.s32 $0x200, s10;
	s2 =	sadd.s32 s19, s2  }
0xa: {  	s19 =	sshll.u32 s11, $0x6;
	s23 =	sshll.u32 s14, $0x6;
	s24 =	sshll.u32 s10, $0x6  }
0xb: {  	s11 =	sshll.u32 s11, $0x1;
	s10 =	sshll.u32 s10, $0x1;
	s2 =	sshrl.u32 s2, $0x3  }
0xc: {  	s16 =	sadd.s32 s13, s19;
	s25 =	sadd.s32 s13, s23;
	s0 =	sadd.s32 s2, s6  }
0xd: {  	s2 =	sadd.s32 s7, s6;
	s6 =	sadd.s32 $0x6CC00, s6;
	s7 =	ssub.s32 s20, s9  }
0xe: {  	s9 =	smul.u32 $0xA000, s17;
	s20 =	sshll.u32 s12, $0x6;
	s21 =	sshrl.u32 s16, $0x3  }
0xf: {  	s16 =	sshrl.u32 s25, $0x3;
	s17 =	sshll.u32 s14, $0x1;
	s25 =	sshrl.u32 s23, $0x2  }
0x10: {  	s22 =	sadd.s32 s13, s20;
	s26 =	sadd.s32 s8, s16;
	s16 =	sshll.u32 s12, $0x1  }
0x11: {  	s28 =	sadd.s32 $0x1200, s2;
	s30 =	smax.u32 s7, $0x1;
	s15 =	sadd.s32 s9, s13  }
0x12: {  	s2 =	simm.s32 $0x2;
	s7 =	simm.s32 $0x3;
	s15 =	sshrl.u32 s15, $0x3  }
0x13: {  	s13 =	sadd.s32 s13, s24;
	[dreg:$0x8] =	wrdreg s26;
	s15 =	sadd.s32 s8, s15  }
0x14: {  	s18 =	sshrl.u32 s9, $0x2;
	[dreg:$0x5] =	wrdreg s15;
	s15 =	sadd.s32 s8, s21  }
0x15: {  	s26 =	sshrl.u32 s24, $0x2;
	[dreg:$0x6] =	wrdreg s15;
	s15 =	sshrl.u32 s22, $0x3  }
0x16: {  	s24 =	sadd.s32 s24, s3;
	s13 =	sshrl.u32 s13, $0x3;
	s15 =	sadd.s32 s8, s15  }
0x17: {  	s8 =	sadd.s32 s8, s13;
	s13 =	sshrl.u32 s29, $0x3;
	[dreg:$0x7] =	wrdreg s15  }
0x18: {  	s21 =	sshrl.u32 s19, $0x2;
	[dreg:$0x9] =	wrdreg s8;
	s8 =	sadd.s32 s6, s13  }
0x19: {  	s22 =	sshrl.u32 s20, $0x2;
	s15 =	sadd.s32 s6, s11;
	[dreg:$0xa] =	wrdreg s8  }
0x1a: {  	s20 =	sadd.s32 s20, s3;
	s29 =	sadd.s32 s29, s4;
	[dreg:$0xb] =	wrdreg s15  }
0x1b: {  	s8 =	sadd.s32 s6, s16;
	s15 =	simm.s32 $0x0;
	s16 =	sadd.s32 s9, s3  }
0x1c: {  	[dreg:$0xc] =	wrdreg s8;
	s8 =	sadd.s32 s6, s17;
	s6 =	sadd.s32 s6, s10  }
0x1d: {  	[smem:$0x7FF] =	sst s15;
	s17 =	sadd.s32 s18, s4;
	s18 =	sadd.s32 s19, s3  }
0x1e: {  	s19 =	sadd.s32 s21, s4;
	s21 =	sadd.s32 s22, s4;
	s22 =	sadd.s32 s23, s3  }
0x1f: {  	s23 =	sadd.s32 s25, s4;
	s25 =	sadd.s32 s26, s4;
	[dreg:$0xd] =	wrdreg s8  }
0x20: {  	s26 =	sadd.s32 $0xB000, s0;
	s0 =	simm.s32 $0x50;
	[dreg:$0xe] =	wrdreg s6  }
0x21: {  	v0 =	vimm.f32 $0.0e+00;
	v1 =	vimm.f32 $1.000000000e+00;
	s6 =	simm.s32 $0x1;
	s8 =	simm.s32 $0x0;
	_ =	strace $0x80000047  }
.LBB2_1:
0x22: {  	s9 =	simm.s32 $0xB060;
	s10 =	simm.s32 $0x0  }
.LBB2_2:
0x23: {  	p1 =	sne.s32 s10, $0x1FC0  }
.Ltmp0:
0x24: {  	[tilespmem:s9+$0xFFFFFFE0] =	vst v0;
	(pc) =	sbr.rel @p1 .LBB2_2-.Ltmp0, $4  }
0x25: {  	[tilespmem:s9+$0xFFFFFFF0] =	vst v0  }
0x26: {  	[tilespmem:s9+$0x0] =	vst v0  }
0x27: {  	[tilespmem:s9+$0x10] =	vst v0;
	s11 =	sshra.s32 s10, $0x2  }
0x28: {  	s9 =	sadd.s32 $0x40, s9;
	s10 =	sadd.s32 $0x40, s10;
	[tilespmem:s11+$0x17540] =	vst v0  }
0x29: {  	s9 =	simm.s32 $0x40;
	s10 =	simm.s32 $0x0  }
.LBB2_4:
0x2a: {  	p1 =	sne.s32 s9, $0x13C0;
	[tilespmem:s10+$0x17040] =	vst v1;
	s10 =	smov.u32 s9;
	s9 =	sadd.s32 $0x40, s9  }
.Ltmp1:
0x2b: {  	(pc) =	sbr.rel @p1 .LBB2_4-.Ltmp1, $2  }
0x2c: {  	_ =	sdelay $0x2  }
0x2d: {  	s10 =	sshra.s32 s10, $0x2  }
0x2e: {  	[tilespmem:s10+$0x17040] =	vst v1  }
0x2f: {  	[spmem:s16] =	stream.linear.scatter [tilespmem:s31], [sflag:$0x2], $0x2000, $0x38;
	[tilespmem:$0x1A540] =	vst v63  }
0x30: {  	_ =	swait.ge [sflag:s2], $0x2000  }
0x31: {  	[sflag:s2] =	ssyncset.done $0x0  }
0x32: {  	s10 =	simm.s32 @p0 $0xB040;
	s11 =	simm.s32 @p0 $0x2;
	[sflag:s2] =	ssyncadd.s32 $0xFFFFE000  }
0x33: {  	[spmem:s18] =	stream.linear.scatter @p0 [tilespmem:s10], [sflag:$0x2], $0x2000, $0x38;
	[tilespmem:$0x1A540] =	vst v63  }
0x34: {  	_ =	swait.ge @p0 [sflag:s11], $0x2000  }
0x35: {  	[sflag:s11] =	ssyncset.done @p0 $0x0  }
0x36: {  	s12 =	simm.s32 @!p0 $0x17540;
	s9 =	simm.s32 @!p0 $0x2;
	[sflag:s11] =	ssyncadd.s32 @p0 $0xFFFFE000  }
0x37: {  	[spmem:s17] =	stream.linear.scatter @!p0 [tilespmem:s12], [sflag:$0x2], $0x800, $0x38;
	[tilespmem:$0x1A540] =	vst v63  }
0x38: {  	_ =	swait.ge @!p0 [sflag:s9], $0x800  }
0x39: {  	[sflag:s9] =	ssyncset.done @!p0 $0x0  }
0x3a: {  	s13 =	simm.s32 @!p0 $0xB040;
	[sflag:s9] =	ssyncadd.s32 @!p0 $0xFFFFF800  }
0x3b: {  	[spmem:s18] =	stream.linear.scatter @!p0 [tilespmem:s13], [sflag:$0x2], $0x2000, $0x38;
	[tilespmem:$0x1A540] =	vst v63  }
0x3c: {  	_ =	swait.ge @!p0 [sflag:s9], $0x2000  }
0x3d: {  	[sflag:s9] =	ssyncset.done @!p0 $0x0  }
0x3e: {  	[sflag:s9] =	ssyncadd.s32 @!p0 $0xFFFFE000  }
0x3f: {  	[spmem:s19] =	stream.linear.scatter @!p0 [tilespmem:s12], [sflag:$0x2], $0x800, $0x38;
	[tilespmem:$0x1A540] =	vst v63  }
0x40: {  	_ =	swait.ge @!p0 [sflag:s9], $0x800  }
0x41: {  	[sflag:s9] =	ssyncset.done @!p0 $0x0  }
0x42: {  	[sflag:s9] =	ssyncadd.s32 @!p0 $0xFFFFF800  }
0x43: {  	[spmem:s20] =	stream.linear.scatter [tilespmem:s31], [sflag:$0x2], $0x2000, $0x38;
	[tilespmem:$0x1A540] =	vst v63  }
0x44: {  	_ =	swait.ge [sflag:s2], $0x2000  }
0x45: {  	[sflag:s2] =	ssyncset.done $0x0  }
0x46: {  	[sflag:s2] =	ssyncadd.s32 $0xFFFFE000  }
0x47: {  	[spmem:s22] =	stream.linear.scatter @p0 [tilespmem:s10], [sflag:$0x2], $0x2000, $0x38;
	[tilespmem:$0x1A540] =	vst v63  }
0x48: {  	_ =	swait.ge @p0 [sflag:s11], $0x2000  }
0x49: {  	[sflag:s11] =	ssyncset.done @p0 $0x0  }
0x4a: {  	[sflag:s11] =	ssyncadd.s32 @p0 $0xFFFFE000  }
0x4b: {  	[spmem:s21] =	stream.linear.scatter @!p0 [tilespmem:s12], [sflag:$0x2], $0x800, $0x38;
	[tilespmem:$0x1A540] =	vst v63  }
0x4c: {  	_ =	swait.ge @!p0 [sflag:s9], $0x800  }
0x4d: {  	[sflag:s9] =	ssyncset.done @!p0 $0x0  }
0x4e: {  	[sflag:s9] =	ssyncadd.s32 @!p0 $0xFFFFF800  }
0x4f: {  	[spmem:s22] =	stream.linear.scatter @!p0 [tilespmem:s13], [sflag:$0x2], $0x2000, $0x38;
	[tilespmem:$0x1A540] =	vst v63  }
0x50: {  	_ =	swait.ge @!p0 [sflag:s9], $0x2000  }
0x51: {  	[sflag:s9] =	ssyncset.done @!p0 $0x0  }
0x52: {  	[sflag:s9] =	ssyncadd.s32 @!p0 $0xFFFFE000  }
0x53: {  	[spmem:s23] =	stream.linear.scatter @!p0 [tilespmem:s12], [sflag:$0x2], $0x800, $0x38;
	[tilespmem:$0x1A540] =	vst v63  }
0x54: {  	_ =	swait.ge @!p0 [sflag:s9], $0x800  }
0x55: {  	[sflag:s9] =	ssyncset.done @!p0 $0x0  }
0x56: {  	[sflag:s9] =	ssyncadd.s32 @!p0 $0xFFFFF800  }
0x57: {  	[spmem:s24] =	stream.linear.scatter [tilespmem:s31], [sflag:$0x2], $0x2000, $0x38;
	[tilespmem:$0x1A540] =	vst v63  }
0x58: {  	_ =	swait.ge [sflag:s2], $0x2000  }
0x59: {  	[sflag:s2] =	ssyncset.done $0x0  }
0x5a: {  	[sflag:s2] =	ssyncadd.s32 $0xFFFFE000  }
0x5b: {  	[spmem:s25] =	stream.linear.scatter @!p0 [tilespmem:s12], [sflag:$0x2], $0x800, $0x38;
	[tilespmem:$0x1A540] =	vst v63  }
0x5c: {  	_ =	swait.ge @!p0 [sflag:s9], $0x800  }
0x5d: {  	[sflag:s9] =	ssyncset.done @!p0 $0x0  }
0x5e: {  	[sflag:s9] =	ssyncadd.s32 @!p0 $0xFFFFF800  }
0x5f: {  	s12 =	simm.s32 $0x0;
	[bflag:$0x0] =	sbarrier.arrive $0xFFFF  }
0x60: {  	[tilespmem:s12], [sflag:$0x2] =	stream.linear.gather [hbm4b:s26+s12], $0x4E20, $0x38;
	[tilespmem:$0x1A540] =	vst v63  }
0x61: {  	_ =	swait.ge [sflag:s2], $0x4E20  }
0x62: {  	[sflag:s2] =	ssyncset.done $0x0  }
0x63: {  	s13 =	simm.s32 $0x4E20;
	[sflag:s2] =	ssyncadd.s32 $0xFFFFB1E0  }
0x64: {  	[tilespmem:s13], [sflag:$0x2] =	stream.linear.gather [hbm4b:s28+s12], $0x4E20, $0x38;
	[tilespmem:$0x1A540] =	vst v63  }
0x65: {  	_ =	swait.ge [sflag:s2], $0x4E20  }
0x66: {  	[sflag:s2] =	ssyncset.done $0x0  }
0x67: {  	s14 =	simm.s32 $0x0;
	[sflag:s2] =	ssyncadd.s32 $0xFFFFB1E0  }
0x68: {  	[tilespmem:s5], [sflag:$0x1] =	stream.indirect.gather [hbm4b:s1+s0], $0x40, s14, s0, $0xb8;
	[tilespmem:$0x1A540] =	vst v63  }
0x69: {  	_ =	swait.ge [sflag:s6], $0x1400  }
0x6a: {  	[sflag:s6] =	ssyncset.done $0x0  }
0x6b: {  	s12 =	simm.s32 $0x4E20;
	[sflag:s6] =	ssyncadd.s32 $0xFFFFEC00  }
0x6c: {  	[spmem:s3] =	stream.indirect.scatter.add.f32 [tilespmem:s5], [sflag:$0x3], $0x40, s12, s0, $0xb8;
	[tilespmem:$0x1A540] =	vst v63  }
0x6d: {  	_ =	swait.ge [sflag:s7], $0x1400  }
0x6e: {  	[sflag:s7] =	ssyncset.done $0x0  }
0x6f: {  	s10 =	simm.s32 @!p0 $0x50;
	s11 =	simm.s32 @!p0 $0x17040;
	[sflag:s7] =	ssyncadd.s32 $0xFFFFEC00  }
0x70: {  	[spmem:s4] =	stream.indirect.scatter.add.f32 @!p0 [tilespmem:s11], [sflag:$0x2], $0x10, s12, s10, $0xb8;
	[tilespmem:$0x1A540] =	vst v63  }
0x71: {  	_ =	swait.ge @!p0 [sflag:s9], $0x500  }
0x72: {  	s13 =	simm.s32 $0x280;
	s12 =	simm.s32 $0x140;
	[sflag:s9] =	ssyncset.done @!p0 $0x0  }
.LBB2_6:
0x73: {  	s14 =	sshra.s32 s12, $0x2  }
0x74: {  	[sflag:s9] =	ssyncadd.s32 @!p0 $0xFFFFFB00;
	s12 =	smov.u32 s13;
	s13 =	sadd.s32 $0x140, s13  }
0x75: {  	[tilespmem:s5], [sflag:$0x1] =	stream.indirect.gather [hbm4b:s1+s0], $0x40, s14, s0, $0xb8;
	[tilespmem:$0x1A540] =	vst v63  }
0x76: {  	p1 =	sne.s32 s13, $0x13880;
	_ =	swait.ge [sflag:s6], $0x1400  }
0x77: {  	[sflag:s6] =	ssyncset.done $0x0  }
0x78: {  	s14 =	sadd.s32 $0x4E20, s14;
	[sflag:s6] =	ssyncadd.s32 $0xFFFFEC00  }
0x79: {  	[spmem:s3] =	stream.indirect.scatter.add.f32 [tilespmem:s5], [sflag:$0x3], $0x40, s14, s0, $0xb8;
	[tilespmem:$0x1A540] =	vst v63  }
0x7a: {  	_ =	swait.ge [sflag:s7], $0x1400  }
.Ltmp2:
0x7b: {  	[sflag:s7] =	ssyncset.done $0x0;
	(pc) =	sbr.rel @p1 .LBB2_6-.Ltmp2, $4  }
0x7c: {  	[sflag:s7] =	ssyncadd.s32 $0xFFFFEC00  }
0x7d: {  	[spmem:s4] =	stream.indirect.scatter.add.f32 @!p0 [tilespmem:s11], [sflag:$0x2], $0x10, s14, s10, $0xb8;
	[tilespmem:$0x1A540] =	vst v63  }
0x7e: {  	_ =	swait.ge @!p0 [sflag:s9], $0x500  }
0x7f: {  	[sflag:s9] =	ssyncset.done @!p0 $0x0  }
0x80: {  	s10 =	sshra.s32 s12, $0x2;
	[sflag:s9] =	ssyncadd.s32 @!p0 $0xFFFFFB00  }
0x81: {  	[tilespmem:s5], [sflag:$0x1] =	stream.indirect.gather [hbm4b:s1+s0], $0x40, s10, s0, $0xb8;
	[tilespmem:$0x1A540] =	vst v63  }
0x82: {  	_ =	swait.ge [sflag:s6], $0x1400  }
0x83: {  	[sflag:s6] =	ssyncset.done $0x0  }
0x84: {  	s10 =	sadd.s32 $0x4E20, s10;
	[sflag:s6] =	ssyncadd.s32 $0xFFFFEC00  }
0x85: {  	[spmem:s3] =	stream.indirect.scatter.add.f32 [tilespmem:s5], [sflag:$0x3], $0x40, s10, s0, $0xb8;
	[tilespmem:$0x1A540] =	vst v63  }
0x86: {  	_ =	swait.ge [sflag:s7], $0x1400  }
0x87: {  	[sflag:s7] =	ssyncset.done $0x0  }
0x88: {  	s11 =	simm.s32 @!p0 $0x50;
	s12 =	simm.s32 @!p0 $0x17040;
	[sflag:s7] =	ssyncadd.s32 $0xFFFFEC00  }
0x89: {  	[spmem:s4] =	stream.indirect.scatter.add.f32 @!p0 [tilespmem:s12], [sflag:$0x2], $0x10, s10, s11, $0xb8;
	[tilespmem:$0x1A540] =	vst v63  }
0x8a: {  	_ =	swait.ge @!p0 [sflag:s9], $0x500  }
0x8b: {  	[sflag:s9] =	ssyncset.done @!p0 $0x0  }
0x8c: {  	[sflag:s9] =	ssyncadd.s32 @!p0 $0xFFFFFB00  }
0x8d: {  	[bflag:$0x0] =	sbarrier.arrive $0xFFFF  }
0x8e: {  	[tilespmem:s31], [sflag:$0x2] =	stream.linear.gather [spmem:s16], $0x2000, $0x38;
	[tilespmem:$0x1A540] =	vst v63  }
0x8f: {  	_ =	swait.ge [sflag:s2], $0x2000  }
0x90: {  	[sflag:s2] =	ssyncset.done $0x0  }
0x91: {  	s12 =	rddreg [dreg:$0x5];
	[sflag:s2] =	ssyncadd.s32 $0xFFFFE000  }
0x92: {  	[hbm4b:s12+s15] =	stream.linear.scatter [tilespmem:s31], [sflag:$0x2], $0x2000, $0x38;
	[tilespmem:$0x1A540] =	vst v63  }
0x93: {  	_ =	swait.ge [sflag:s2], $0x2000  }
0x94: {  	[sflag:s2] =	ssyncset.done $0x0  }
0x95: {  	s10 =	simm.s32 @!p0 $0x17540;
	s9 =	simm.s32 @!p0 $0x2;
	[sflag:s2] =	ssyncadd.s32 $0xFFFFE000  }
0x96: {  	[tilespmem:s10], [sflag:$0x2] =	stream.linear.gather @!p0 [spmem:s29], $0x800, $0x38;
	[tilespmem:$0x1A540] =	vst v63  }
0x97: {  	_ =	swait.ge @!p0 [sflag:s9], $0x800  }
0x98: {  	[sflag:s9] =	ssyncset.done @!p0 $0x0  }
0x99: {  	s11 =	simm.s32 @!p0 $0x0;
	s12 =	rddreg [dreg:$0xa];
	[sflag:s9] =	ssyncadd.s32 @!p0 $0xFFFFF800  }
0x9a: {  	[hbm4b:s12+s11] =	stream.linear.scatter @!p0 [tilespmem:s10], [sflag:$0x2], $0x800, $0x38;
	[tilespmem:$0x1A540] =	vst v63  }
0x9b: {  	_ =	swait.ge @!p0 [sflag:s9], $0x800  }
0x9c: {  	[sflag:s9] =	ssyncset.done @!p0 $0x0  }
0x9d: {  	[sflag:s9] =	ssyncadd.s32 @!p0 $0xFFFFF800  }
0x9e: {  	[tilespmem:s31], [sflag:$0x2] =	stream.linear.gather [spmem:s18], $0x2000, $0x38;
	[tilespmem:$0x1A540] =	vst v63  }
0x9f: {  	_ =	swait.ge [sflag:s2], $0x2000  }
0xa0: {  	[sflag:s2] =	ssyncset.done $0x0  }
0xa1: {  	s13 =	rddreg [dreg:$0x6];
	[sflag:s2] =	ssyncadd.s32 $0xFFFFE000  }
0xa2: {  	[hbm4b:s13+s15] =	stream.linear.scatter [tilespmem:s31], [sflag:$0x2], $0x2000, $0x38;
	[tilespmem:$0x1A540] =	vst v63  }
0xa3: {  	_ =	swait.ge [sflag:s2], $0x2000  }
0xa4: {  	[sflag:s2] =	ssyncset.done $0x0  }
0xa5: {  	[sflag:s2] =	ssyncadd.s32 $0xFFFFE000  }
0xa6: {  	[tilespmem:s10], [sflag:$0x2] =	stream.linear.gather @!p0 [spmem:s19], $0x800, $0x38;
	[tilespmem:$0x1A540] =	vst v63  }
0xa7: {  	_ =	swait.ge @!p0 [sflag:s9], $0x800  }
0xa8: {  	[sflag:s9] =	ssyncset.done @!p0 $0x0  }
0xa9: {  	s12 =	rddreg [dreg:$0xb];
	[sflag:s9] =	ssyncadd.s32 @!p0 $0xFFFFF800  }
0xaa: {  	[hbm4b:s12+s11] =	stream.linear.scatter @!p0 [tilespmem:s10], [sflag:$0x2], $0x800, $0x38;
	[tilespmem:$0x1A540] =	vst v63  }
0xab: {  	_ =	swait.ge @!p0 [sflag:s9], $0x800  }
0xac: {  	[sflag:s9] =	ssyncset.done @!p0 $0x0  }
0xad: {  	[sflag:s9] =	ssyncadd.s32 @!p0 $0xFFFFF800  }
0xae: {  	[tilespmem:s31], [sflag:$0x2] =	stream.linear.gather [spmem:s20], $0x2000, $0x38;
	[tilespmem:$0x1A540] =	vst v63  }
0xaf: {  	_ =	swait.ge [sflag:s2], $0x2000  }
0xb0: {  	[sflag:s2] =	ssyncset.done $0x0  }
0xb1: {  	s14 =	rddreg [dreg:$0x7];
	[sflag:s2] =	ssyncadd.s32 $0xFFFFE000  }
0xb2: {  	[hbm4b:s14+s15] =	stream.linear.scatter [tilespmem:s31], [sflag:$0x2], $0x2000, $0x38;
	[tilespmem:$0x1A540] =	vst v63  }
0xb3: {  	_ =	swait.ge [sflag:s2], $0x2000  }
0xb4: {  	[sflag:s2] =	ssyncset.done $0x0  }
0xb5: {  	[sflag:s2] =	ssyncadd.s32 $0xFFFFE000  }
0xb6: {  	[tilespmem:s10], [sflag:$0x2] =	stream.linear.gather @!p0 [spmem:s21], $0x800, $0x38;
	[tilespmem:$0x1A540] =	vst v63  }
0xb7: {  	_ =	swait.ge @!p0 [sflag:s9], $0x800  }
0xb8: {  	[sflag:s9] =	ssyncset.done @!p0 $0x0  }
0xb9: {  	s12 =	rddreg [dreg:$0xc];
	[sflag:s9] =	ssyncadd.s32 @!p0 $0xFFFFF800  }
0xba: {  	[hbm4b:s12+s11] =	stream.linear.scatter @!p0 [tilespmem:s10], [sflag:$0x2], $0x800, $0x38;
	[tilespmem:$0x1A540] =	vst v63  }
0xbb: {  	_ =	swait.ge @!p0 [sflag:s9], $0x800  }
0xbc: {  	[sflag:s9] =	ssyncset.done @!p0 $0x0  }
0xbd: {  	[sflag:s9] =	ssyncadd.s32 @!p0 $0xFFFFF800  }
0xbe: {  	[tilespmem:s31], [sflag:$0x2] =	stream.linear.gather [spmem:s22], $0x2000, $0x38;
	[tilespmem:$0x1A540] =	vst v63  }
0xbf: {  	_ =	swait.ge [sflag:s2], $0x2000  }
0xc0: {  	[sflag:s2] =	ssyncset.done $0x0  }
0xc1: {  	s13 =	rddreg [dreg:$0x8];
	[sflag:s2] =	ssyncadd.s32 $0xFFFFE000  }
0xc2: {  	[hbm4b:s13+s15] =	stream.linear.scatter [tilespmem:s31], [sflag:$0x2], $0x2000, $0x38;
	[tilespmem:$0x1A540] =	vst v63  }
0xc3: {  	_ =	swait.ge [sflag:s2], $0x2000  }
0xc4: {  	[sflag:s2] =	ssyncset.done $0x0  }
0xc5: {  	[sflag:s2] =	ssyncadd.s32 $0xFFFFE000  }
0xc6: {  	[tilespmem:s10], [sflag:$0x2] =	stream.linear.gather @!p0 [spmem:s23], $0x800, $0x38;
	[tilespmem:$0x1A540] =	vst v63  }
0xc7: {  	_ =	swait.ge @!p0 [sflag:s9], $0x800  }
0xc8: {  	[sflag:s9] =	ssyncset.done @!p0 $0x0  }
0xc9: {  	s12 =	rddreg [dreg:$0xd];
	[sflag:s9] =	ssyncadd.s32 @!p0 $0xFFFFF800  }
0xca: {  	[hbm4b:s12+s11] =	stream.linear.scatter @!p0 [tilespmem:s10], [sflag:$0x2], $0x800, $0x38;
	[tilespmem:$0x1A540] =	vst v63  }
0xcb: {  	_ =	swait.ge @!p0 [sflag:s9], $0x800  }
0xcc: {  	[sflag:s9] =	ssyncset.done @!p0 $0x0  }
0xcd: {  	[sflag:s9] =	ssyncadd.s32 @!p0 $0xFFFFF800  }
0xce: {  	[tilespmem:s31], [sflag:$0x2] =	stream.linear.gather [spmem:s24], $0x2000, $0x38;
	[tilespmem:$0x1A540] =	vst v63  }
0xcf: {  	_ =	swait.ge [sflag:s2], $0x2000  }
0xd0: {  	[sflag:s2] =	ssyncset.done $0x0  }
0xd1: {  	s14 =	rddreg [dreg:$0x9];
	[sflag:s2] =	ssyncadd.s32 $0xFFFFE000  }
0xd2: {  	[hbm4b:s14+s15] =	stream.linear.scatter [tilespmem:s31], [sflag:$0x2], $0x2000, $0x38;
	[tilespmem:$0x1A540] =	vst v63  }
0xd3: {  	_ =	swait.ge [sflag:s2], $0x2000  }
0xd4: {  	[sflag:s2] =	ssyncset.done $0x0  }
0xd5: {  	[sflag:s2] =	ssyncadd.s32 $0xFFFFE000  }
0xd6: {  	[tilespmem:s10], [sflag:$0x2] =	stream.linear.gather @!p0 [spmem:s25], $0x800, $0x38;
	[tilespmem:$0x1A540] =	vst v63  }
0xd7: {  	s8 =	sadd.s32 $0x1, s8;
	_ =	swait.ge @!p0 [sflag:s9], $0x800  }
0xd8: {  	p1 =	sne.s32 s8, s30;
	[sflag:s9] =	ssyncset.done @!p0 $0x0  }
.Ltmp3:
0xd9: {  	s12 =	rddreg [dreg:$0xe];
	[sflag:s9] =	ssyncadd.s32 @!p0 $0xFFFFF800;
	(pc) =	sbr.rel @p1 .LBB2_1-.Ltmp3, $4  }
0xda: {  	[hbm4b:s12+s11] =	stream.linear.scatter @!p0 [tilespmem:s10], [sflag:$0x2], $0x800, $0x38;
	[tilespmem:$0x1A540] =	vst v63  }
0xdb: {  	_ =	swait.ge @!p0 [sflag:s9], $0x800  }
0xdc: {  	[sflag:s9] =	ssyncset.done @!p0 $0x0  }
0xdd: {  	[sflag:s9] =	ssyncadd.s32 @!p0 $0xFFFFF800  }
0xde: {  	_ =	sfence.sel $0x180000  }
0xdf: {  	[bflag:$0x0] =	sbarrier.arrive $0xFFFF  }
0xe0: {  	_ =	strace $0x90000047  }
0xe1: {  	s0 =	stileid.u32;
	[bflag:$0x2] =	sbarrier.arrive $0xFFFF  }
0xe2: {  	p0 =	sne.s32 s0, $0x0;
	s0 =	rddreg [dreg:$0x4]  }
0xe3: {  	s0 =	sadd.s32 @!p0 $0x100000, s0  }
0xe4: {  	[sflag:s0] =	ssyncadd.tile.s32 @!p0 $0x1;
	_ =	shalt  }
.Lfunc_end2:
_tile_overlayer_lowered:
.L_overlay_start_2:
0xe5: {  	(tag) =	ssettag $0x2  }
0xe6: {  	s0 =	rddreg [dreg:$0x0];
	s2 =	stileid.u32  }
0xe7: {  	s1 =	rddreg [dreg:$0x1];
	p0 =	sne.s32 s2, $0x0  }
0xe8: {  	s3 =	rddreg [dreg:$0x2];
	[bflag:$0x3] =	sbarrier.arrive $0xFFFF;
	s2 =	simm.s32 @!p0 $0x1C02  }
0xe9: {  	[timem:s3], [sflag:s2] =	dma.local @!p0 [hbm:s0], s1  }
0xea: {  	s0 =	simm.s32 @!p0 $0x2  }
0xeb: {  	_ =	swait.ge @!p0 [sflag:s0], s1  }
0xec: {  	s1 =	ssub.s32 @!p0 $0x0, s1;
	[sflag:s0] =	ssyncset.done @!p0 $0x0  }
0xed: {  	[sflag:s0] =	ssyncadd.s32 @!p0 s1  }
0xee: {  	[bflag:$0x3] =	sbarrier.arrive $0xFFFF  }
0xef: {  	_ =	shalt  }

// kernel: kernel.9.cloned.1.call-start
scs
__scs_entry_jumppad:
0x0: {  	(pc) =	sbr.rel $0x88, $3  }
0x1: {  	(tag) =	ssettag $0x0;
	lr =	simm.s32 $0x1  }
0x2: {  	[smem:$0x3F9B] =	sst lr;
	_ =	strace $0xD0000000  }
0x3: {  	_ = 	snop  }
0x4: {  	_ = 	snop  }
0x5: {  	_ = 	snop  }
0x6: {  	_ = 	snop  }
0x7: {  	_ = 	snop  }
__scs_overlays_trampoline_lowered:
0x8: {  	[smem:$0x3FAA] =	sst s0  }
0x9: {  	[smem:$0x3FAB] =	sst s1  }
0xa: {  	[smem:$0x3FAC] =	sst s2  }
0xb: {  	[smem:$0x3FAD] =	sst s3  }
0xc: {  	[smem:$0x3FAE] =	sst s4  }
0xd: {  	[smem:$0x3FAF] =	sst s5  }
0xe: {  	[smem:$0x3FB0] =	sst s6  }
0xf: {  	[smem:$0x3FB1] =	sst s7  }
0x10: {  	[smem:$0x3FB2] =	sst s8  }
0x11: {  	[smem:$0x3FB3] =	sst s9;
	s0 =	simm.s32 @!p0 $0x0  }
0x12: {  	s1 =	sld [smem:$0x3F99];
	s0 =	simm.s32 @p0 $0x1  }
0x13: {  	[smem:$0x3FB4] =	sst s0;
	s0 =	simm.s32 @!p1 $0x0  }
0x14: {  	s2 =	sld [smem:$0x3F98];
	s0 =	simm.s32 @p1 $0x1  }
0x15: {  	[smem:$0x3FB5] =	sst s0;
	s0 =	simm.s32 @!p2 $0x0  }
0x16: {  	s3 =	sld [smem:$0x3FDB];
	s0 =	simm.s32 @p2 $0x1  }
0x17: {  	s4 =	simm.s32 $0x1BF5;
	[smem:$0x3FB7] =	sst s0  }
0x18: {  	s0 =	sld [smem:$0x3F9A];
	_ =	swait.ge [sflag:s4], $0x0  }
0x19: {  	s7 =	sld [smem:$0x3F9B]  }
0x1a: {  	s8 =	sadd.s32 $0xFFFFE003, lr  }
0x1b: {  	s9 =	sadd.s32 $0xFFFFFEF7, lr;
	s5 =	simm.s32 $0xFFFFFFFF;
	p2 =	slt.u32 s8, $0xFFFFF086  }
0x1c: {  	p1 =	slt.u32 s9, $0xF7A;
	s5 =	simm.s32 @!p2 $0x0  }
0x1d: {  	s5 =	simm.s32 @p1 $0x1;
	p0 =	seq.s32 s7, s2  }
0x1e: {  	s7 =	smul.u32 @!p0 $0xF7A, s2;
	p2 =	seq.s32 @!p0 s5, $0x0  }
0x1f: {  	s9 =	smul.u32 $0xF7A, s1;
	s8 =	simm.s32 @!p0 $0x1BF5;
	p2 =	por !p2, p0  }
0x20: {  	[sflag:s8] =	ssyncset.s32 @!p0 $0xFFFFF086;
	s6 =	sadd.s32 @!p0 s3, s7;
	s7 =	simm.s32 @!p0 $0x108  }
0x21: {  	s3 =	sadd.s32 s3, s9;
	s6 =	sadd.s32 @!p0 $0x88, s6;
	s7 =	simm.s32 @p2 $0x1082  }
0x22: {  	[simem:s7], [sflag:s8] =	dma.local @!p0 [hbm:s6], $0xF7A  }
0x23: {  	s9 =	sor.u32 $0xD0000000, s2;
	s6 =	simm.s32 $0x108;
	_ =	swait.ge @!p0 [sflag:s8], $0x0  }
0x24: {  	s3 =	sadd.s32 $0x88, s3;
	s6 =	simm.s32 @!p1 $0x1082;
	[sflag:s4] =	ssyncset.s32 $0xFFFFF086  }
0x25: {  	[simem:s6], [sflag:s4] =	dma.local [hbm:s3], $0xF7A  }
0x26: {  	[smem:$0x3F9B] =	sst s1;
	(tag) =	ssettag s2;
	_ =	strace s9  }
0x27: {  	s1 =	sld [smem:$0x3FAB]  }
0x28: {  	s2 =	sld [smem:$0x3FAC]  }
0x29: {  	s4 =	sld [smem:$0x3FAE]  }
0x2a: {  	p0 =	seq.s32 s5, $0x0;
	s5 =	sld [smem:$0x3FAF]  }
0x2b: {  	s6 =	sld [smem:$0x3FB0]  }
0x2c: {  	s7 =	sld [smem:$0x3FB1]  }
0x2d: {  	s3 =	simm.s32 $0x108;
	s8 =	sld [smem:$0x3FB2]  }
0x2e: {  	s3 =	simm.s32 @!p0 $0x1082;
	s9 =	sld [smem:$0x3FB3]  }
0x2f: {  	lr =	sadd.s32 s0, s3;
	s0 =	sld [smem:$0x3FAA]  }
0x30: {  	s3 =	sld [smem:$0x3FAD]  }
0x31: {  	[smem:$0x3FB6] =	sst s10  }
0x32: {  	s10 =	sld [smem:$0x3FB4];
	_ =	sdelay $0x3  }
0x33: {  	p0 =	seq.s32 s10, $0x1;
	s10 =	sld [smem:$0x3FB6];
	_ =	sdelay $0x3  }
0x34: {  	[smem:$0x3FB6] =	sst s10  }
0x35: {  	s10 =	sld [smem:$0x3FB5];
	_ =	sdelay $0x3  }
0x36: {  	p1 =	seq.s32 s10, $0x1;
	s10 =	sld [smem:$0x3FB6];
	_ =	sdelay $0x3  }
0x37: {  	[smem:$0x3FB6] =	sst s10  }
0x38: {  	s10 =	sld [smem:$0x3FB7]  }
0x39: {  	_ = 	snop;
	(pc) =	sbr.ind lr, $3  }
0x3a: {  	_ = 	snop  }
0x3b: {  	_ = 	snop  }
0x3c: {  	p2 =	seq.s32 s10, $0x1;
	s10 =	sld [smem:$0x3FB6]  }
0x3d: {  	_ =	shalt  }
0x3e: {  	_ =	shalt  }
0x3f: {  	_ =	shalt  }
0x40: {  	_ =	shalt  }
0x41: {  	_ =	shalt  }
0x42: {  	_ =	shalt  }
0x43: {  	_ =	shalt  }
0x44: {  	_ =	shalt  }
0x45: {  	_ =	shalt  }
0x46: {  	_ =	shalt  }
0x47: {  	_ =	shalt  }
0x48: {  	_ =	shalt  }
0x49: {  	_ =	shalt  }
0x4a: {  	_ =	shalt  }
0x4b: {  	_ =	shalt  }
0x4c: {  	_ =	shalt  }
0x4d: {  	_ =	shalt  }
0x4e: {  	_ =	shalt  }
0x4f: {  	_ =	shalt  }
0x50: {  	_ =	shalt  }
0x51: {  	_ =	shalt  }
0x52: {  	_ =	shalt  }
0x53: {  	_ =	shalt  }
0x54: {  	_ =	shalt  }
0x55: {  	_ =	shalt  }
0x56: {  	_ =	shalt  }
0x57: {  	_ =	shalt  }
0x58: {  	_ =	shalt  }
0x59: {  	_ =	shalt  }
0x5a: {  	_ =	shalt  }
0x5b: {  	_ =	shalt  }
0x5c: {  	_ =	shalt  }
0x5d: {  	_ =	shalt  }
0x5e: {  	_ =	shalt  }
0x5f: {  	_ =	shalt  }
0x60: {  	_ =	shalt  }
0x61: {  	_ =	shalt  }
0x62: {  	_ =	shalt  }
0x63: {  	_ =	shalt  }
0x64: {  	_ =	shalt  }
0x65: {  	_ =	shalt  }
0x66: {  	_ =	shalt  }
0x67: {  	_ =	shalt  }
0x68: {  	_ =	shalt  }
0x69: {  	_ =	shalt  }
0x6a: {  	_ =	shalt  }
0x6b: {  	_ =	shalt  }
0x6c: {  	_ =	shalt  }
0x6d: {  	_ =	shalt  }
0x6e: {  	_ =	shalt  }
0x6f: {  	_ =	shalt  }
0x70: {  	_ =	shalt  }
0x71: {  	_ =	shalt  }
0x72: {  	_ =	shalt  }
0x73: {  	_ =	shalt  }
0x74: {  	_ =	shalt  }
0x75: {  	_ =	shalt  }
0x76: {  	_ =	shalt  }
0x77: {  	_ =	shalt  }
0x78: {  	_ =	shalt  }
0x79: {  	_ =	shalt  }
0x7a: {  	_ =	shalt  }
0x7b: {  	_ =	shalt  }
0x7c: {  	_ =	shalt  }
0x7d: {  	_ =	shalt  }
0x7e: {  	_ =	shalt  }
0x7f: {  	_ =	shalt  }
0x80: {  	_ =	shalt  }
0x81: {  	_ =	shalt  }
0x82: {  	_ =	shalt  }
0x83: {  	_ =	shalt  }
0x84: {  	_ =	shalt  }
0x85: {  	_ =	shalt  }
0x86: {  	_ =	shalt  }
0x87: {  	_ =	shalt  }
.Lfunc_end0:
.L_simem_size_0:
called_computation.1_lowered:
.L_overlay_start_0:
0x88: {  	s2 =	sld [smem:$0x3FD9]  }
0x89: {  	s3 =	sld [smem:$0x3FFE];
	_ =	sdelay $0x1  }
0x8a: {  	s1 =	srdreg.scid  }
0x8b: {  	s0 =	sand.u32 $0x1, s1  }
0x8c: {  	s17 =	sshll.u32 s0, $0xA;
	s2 =	sadd.s32 s3, s2  }
0x8d: {  	s2 =	sadd.s32 s2, s17  }
0x8e: {  	[smem:$0x3FC2] =	sst s2  }
0x8f: {  	_ = 	snop  }
0x90: {  	s2 =	sld [smem:$0x3FD0];
	(tm) =	ssettm $0x1  }
0x91: {  	s18 =	sld [smem:$0x3FFB];
	_ =	sdelay $0x3  }
0x92: {  	_ =	strace s18  }
0x93: {  	s3 =	sld [smem:$0x3FFC];
	_ =	sdelay $0x3  }
0x94: {  	_ =	strace s3  }
0x95: {  	s3 =	sld [smem:$0x3FFD];
	_ =	sdelay $0x3  }
0x96: {  	_ =	strace s3  }
0x97: {  	_ =	strace $0x8FFFFFFF  }
0x98: {  	s19 =	sld [smem:$0x3FDB];
	_ =	sdelay $0x1  }
0x99: {  	s4 =	simm.s32 $_scs_section_size  }
0x9a: {  	s5 =	simm.s32 $_size__tile_overlayer_lowered;
	s6 =	simm.s32 $_tile_overlayer_lowered  }
0x9b: {  	s22 =	simm.s32 $0x1BFF;
	s21 =	sshll.u32 s6, $0x1;
	s3 =	sadd.s32 s4, s19  }
0x9c: {  	s7 =	simm.s32 $0x0;
	s20 =	sshll.u32 s5, $0x1;
	s5 =	sadd.s32 s21, s3  }
0x9d: {  	[timem:s7], [sflag:s22] =	dma.local [hbm:s5], s20  }
0x9e: {  	_ =	swait.ge [sflag:s22], s20  }
0x9f: {  	s4 =	ssub.s32 $0x0, s20;
	[sflag:s22] =	ssyncset.done $0x0  }
0xa0: {  	[sflag:s22] =	ssyncadd.s32 s4;
	_ =	sdelay $0x1  }
0xa1: {  	s23 =	simm.s32 $0x1B8B  }
0xa2: {  	_ =	swait.ge [sflag:s23], $0x1  }
0xa3: {  	[sflag:s23] =	ssyncset.done $0x0  }
0xa4: {  	s25 =	simm.s32 $0x1B8E;
	s24 =	sld [smem:$0x3FFE];
	[sflag:s23] =	ssyncadd.s32 $0xFFFFFFFF  }
0xa5: {  	s26 =	simm.s32 $execute0_lowered;
	[smem:$0x3FD2] =	sst s25  }
0xa6: {  	s5 =	sshll.u32 s26, $0x1;
	_ =	strace $0x80000049;
	[dreg:$0x1] =	wrdreg $0xFFFFFFFF  }
0xa7: {  	s28 =	simm.s32 $_size_execute0_lowered;
	s3 =	sadd.s32 s3, s5;
	[dreg:$0x0] =	wrdreg $0x0  }
0xa8: {  	s5 =	sshll.u32 s28, $0x1;
	[dreg:$0x2] =	wrdreg s3  }
0xa9: {  	[dreg:$0x3] =	wrdreg s5  }
0xaa: {  	[dreg:$0x4] =	wrdreg $0xC0  }
0xab: {  	_ =	task [dreg:s7], $0x5FFFF  }
0xac: {  	[dreg:$0x1] =	wrdreg $0xFFFFFFFF  }
0xad: {  	[dreg:$0x0] =	wrdreg $0x60  }
0xae: {  	[dreg:$0x2] =	wrdreg s2  }
0xaf: {  	[dreg:$0x3] =	wrdreg s24  }
0xb0: {  	[dreg:$0x4] =	wrdreg $0xD0400  }
0xb1: {  	[dreg:$0x5] =	wrdreg $0x9  }
0xb2: {  	_ =	task.clear_ibuf [dreg:s7], $0x6FFFF;
	_ =	strace $0x90000049  }
0xb3: {  	s29 =	simm.s32 $0x9;
	_ =	strace $0x8000004B  }
0xb4: {  	_ =	swait.ge [sflag:s29], $0x1  }
0xb5: {  	[sflag:s29] =	ssyncadd.s32 $0xFFFFFFFF  }
0xb6: {  	_ =	strace $0x9000004B  }
0xb7: {  	_ =	sfence  }
0xb8: {  	s30 =	sld [smem:$0x0];
	_ =	sdelay $0x2  }
0xb9: {  	s31 =	sshll.u32 s1, $0xD;
	s1 =	sshrl.u32 s1, $0x2  }
0xba: {  	s3 =	sand.u32 $0x4000, s31;
	s1 =	sadd.s32 s1, s30  }
0xbb: {  	s0 =	sor.u32 s3, s0;
	s1 =	sshll.u32 s1, $0x11  }
0xbc: {  	s0 =	sor.u32 s1, s0  }
0xbd: {  	s0 =	sadd.s32 $0x8F2B, s0  }
0xbe: {  	[sflag:s0] =	ssyncadd.remote.s32 $0x1  }
0xbf: {  	_ =	sfence.sel $0xFFFF  }
0xc0: {  	[dreg:$0x0] =	wrdreg $0xFFFFFFFF;
	(pc) =	sbr.abs _section_cstart, $3  }
0xc1: {  	[dreg:$0x1] =	wrdreg $0xFFFFFFFF  }
0xc2: {  	_ =	task.clear_ibuf [dreg:s7], $0x2FFFF;
	_ =	strace $0x9FFFFFFF  }
0xc3: {  	(tm) =	ssettm $0x7FFFFFFF  }
tec
execute0_lowered:
.L_overlay_start_1:
0x0: {  	(tag) =	ssettag $0x1  }
0x1: {  	s2 =	rddreg [dreg:$0x0]  }
0x2: {  	s1 =	srdreg.scid;
	s6 =	rddreg [dreg:$0x1]  }
0x3: {  	s0 =	stileid.u32;
	s3 =	rddreg [dreg:$0x2];
	s4 =	simm.s32 $0x0  }
0x4: {  	s21 =	simm.s32 $0x50;
	s22 =	simm.s32 $0x9C40;
	s23 =	simm.s32 $0x1  }
0x5: {  	s7 =	sand.u32 $0x1, s1;
	s5 =	smul.u32 $0x4E20, s0;
	s1 =	rddreg [dreg:$0x3]  }
0x6: {  	s24 =	simm.s32 $0x0;
	[smem:$0x7FF] =	sst s4;
	s11 =	smul.u32 $0xA000, s0  }
0x7: {  	s16 =	sadd.s32 $0x1EA00, s6;
	s8 =	smul.u32 $0x4E200, s7;
	s29 =	ssub.s32 $0x2, s7  }
0x8: {  	_ =	strace $0x8000004A;
	s15 =	smul.u32 $0xA0000, s7;
	s30 =	sshrl.u32 s29, $0x1  }
0x9: {  	s13 =	sadd.s32 $0x2000, s11;
	s14 =	sadd.s32 $0x4000, s11;
	s18 =	sadd.s32 $0x6000, s11  }
0xa: {  	s19 =	sadd.s32 $0x8000, s11;
	s8 =	sadd.s32 s5, s8;
	s5 =	sshrl.u32 s5, $0x3  }
0xb: {  	s17 =	ssub.s32 s29, s30;
	s7 =	sadd.s32 s14, s3;
	s9 =	sadd.s32 s19, s3  }
0xc: {  	s14 =	sadd.s32 s15, s14;
	s19 =	sadd.s32 s15, s19;
	s8 =	sshrl.u32 s8, $0x3  }
0xd: {  	s12 =	sadd.s32 s5, s6;
	s5 =	sadd.s32 s11, s3;
	s11 =	sadd.s32 s11, s15  }
0xe: {  	s14 =	sshrl.u32 s14, $0x3;
	s31 =	sshrl.u32 s19, $0x3;
	s17 =	smax.u32 s17, $0x1  }
0xf: {  	s19 =	simm.s32 $0x2;
	s10 =	sadd.s32 s8, s6;
	s6 =	sadd.s32 s13, s3  }
0x10: {  	s8 =	sadd.s32 s18, s3;
	s20 =	sshrl.u32 s11, $0x3;
	s13 =	sadd.s32 s15, s13  }
0x11: {  	s11 =	sadd.s32 $0x1200, s12;
	s18 =	sadd.s32 s15, s18;
	s14 =	sadd.s32 s16, s14  }
0x12: {  	s10 =	sadd.s32 $0xB000, s10;
	s12 =	sadd.s32 s16, s20;
	s13 =	sshrl.u32 s13, $0x3  }
0x13: {  	s18 =	sshrl.u32 s18, $0x3;
	s20 =	simm.s32 $0x4E20;
	s13 =	sadd.s32 s16, s13  }
0x14: {  	v0 =	vimm.f32 $0.0e+00;
	s15 =	sadd.s32 s16, s18;
	s16 =	sadd.s32 s16, s31;
	s18 =	simm.s32 $0xB040  }
.LBB2_1:
0x15: {  	s26 =	simm.s32 $0x100;
	s25 =	simm.s32 $0x0  }
.LBB2_2:
0x16: {  	p0 =	sne.s32 s26, $0x7F00;
	[tilespmem:s25+$0xB070] =	vst v0;
	s28 =	smov.u32 s26;
	s26 =	sadd.s32 $0x100, s26  }
.Ltmp0:
0x17: {  	[tilespmem:s25+$0xB060] =	vst v0;
	(pc) =	sbr.rel @p0 .LBB2_2-.Ltmp0, $3  }
0x18: {  	[tilespmem:s25+$0xB040] =	vst v0  }
0x19: {  	[tilespmem:s25+$0xB050] =	vst v0;
	_ =	sdelay $0x1  }
0x1a: {  	s25 =	sshra.s32 s28, $0x2  }
0x1b: {  	[tilespmem:s25+$0xB070] =	vst v0  }
0x1c: {  	[tilespmem:s25+$0xB060] =	vst v0  }
0x1d: {  	[tilespmem:s25+$0xB040] =	vst v0  }
0x1e: {  	[tilespmem:s25+$0xB050] =	vst v0  }
0x1f: {  	[spmem:s5] =	stream.linear.scatter [tilespmem:s18], [sflag:$0x2], $0x2000, $0x38;
	[tilespmem:$0x17040] =	vst v63  }
0x20: {  	_ =	swait.ge [sflag:s19], $0x2000  }
0x21: {  	[sflag:s19] =	ssyncset.done $0x0  }
0x22: {  	[sflag:s19] =	ssyncadd.s32 $0xFFFFE000  }
0x23: {  	[spmem:s6] =	stream.linear.scatter [tilespmem:s18], [sflag:$0x2], $0x2000, $0x38;
	[tilespmem:$0x17040] =	vst v63  }
0x24: {  	_ =	swait.ge [sflag:s19], $0x2000  }
0x25: {  	[sflag:s19] =	ssyncset.done $0x0  }
0x26: {  	[sflag:s19] =	ssyncadd.s32 $0xFFFFE000  }
0x27: {  	[spmem:s7] =	stream.linear.scatter [tilespmem:s18], [sflag:$0x2], $0x2000, $0x38;
	[tilespmem:$0x17040] =	vst v63  }
0x28: {  	_ =	swait.ge [sflag:s19], $0x2000  }
0x29: {  	[sflag:s19] =	ssyncset.done $0x0  }
0x2a: {  	[sflag:s19] =	ssyncadd.s32 $0xFFFFE000  }
0x2b: {  	[spmem:s8] =	stream.linear.scatter [tilespmem:s18], [sflag:$0x2], $0x2000, $0x38;
	[tilespmem:$0x17040] =	vst v63  }
0x2c: {  	_ =	swait.ge [sflag:s19], $0x2000  }
0x2d: {  	[sflag:s19] =	ssyncset.done $0x0  }
0x2e: {  	[sflag:s19] =	ssyncadd.s32 $0xFFFFE000  }
0x2f: {  	[spmem:s9] =	stream.linear.scatter [tilespmem:s18], [sflag:$0x2], $0x2000, $0x38;
	[tilespmem:$0x17040] =	vst v63  }
0x30: {  	_ =	swait.ge [sflag:s19], $0x2000  }
0x31: {  	[sflag:s19] =	ssyncset.done $0x0  }
0x32: {  	[sflag:s19] =	ssyncadd.s32 $0xFFFFE000  }
0x33: {  	s29 =	simm.s32 $0x0;
	[bflag:$0x0] =	sbarrier.arrive $0xFFFF  }
0x34: {  	[tilespmem:s29], [sflag:$0x2] =	stream.linear.gather [hbm4b:s10+s29], $0x4E20, $0x38;
	[tilespmem:$0x17040] =	vst v63  }
0x35: {  	_ =	swait.ge [sflag:s19], $0x4E20  }
0x36: {  	[sflag:s19] =	ssyncset.done $0x0  }
0x37: {  	[sflag:s19] =	ssyncadd.s32 $0xFFFFB1E0  }
0x38: {  	[tilespmem:s20], [sflag:$0x2] =	stream.linear.gather [hbm4b:s11+s29], $0x4E20, $0x38;
	[tilespmem:$0x17040] =	vst v63  }
0x39: {  	_ =	swait.ge [sflag:s19], $0x4E20  }
0x3a: {  	[sflag:s19] =	ssyncset.done $0x0  }
0x3b: {  	s30 =	simm.s32 $0x0;
	[sflag:s19] =	ssyncadd.s32 $0xFFFFB1E0  }
0x3c: {  	[tilespmem:s22], [sflag:$0x1] =	stream.indirect.gather [hbm4b:s2+s21], $0x40, s30, s21, $0xb8;
	[tilespmem:$0x17040] =	vst v63  }
0x3d: {  	_ =	swait.ge [sflag:s23], $0x1400  }
0x3e: {  	[sflag:s23] =	ssyncset.done $0x0  }
0x3f: {  	s31 =	simm.s32 $0x4E20;
	[sflag:s23] =	ssyncadd.s32 $0xFFFFEC00  }
0x40: {  	[spmem:s3] =	stream.indirect.scatter.add.f32 [tilespmem:s22], [sflag:$0x2], $0x40, s31, s21, $0xb8;
	[tilespmem:$0x17040] =	vst v63  }
0x41: {  	_ =	swait.ge [sflag:s19], $0x1400  }
0x42: {  	s25 =	simm.s32 $0x140;
	s26 =	simm.s32 $0x280;
	[sflag:s19] =	ssyncset.done $0x0  }
.LBB2_4:
0x43: {  	s28 =	sshra.s32 s25, $0x2  }
0x44: {  	[sflag:s19] =	ssyncadd.s32 $0xFFFFEC00;
	s25 =	smov.u32 s26;
	s29 =	sadd.s32 $0x140, s26  }
0x45: {  	[tilespmem:s22], [sflag:$0x1] =	stream.indirect.gather [hbm4b:s2+s21], $0x40, s28, s21, $0xb8;
	[tilespmem:$0x17040] =	vst v63  }
0x46: {  	p0 =	sne.s32 s26, $0x13740;
	_ =	swait.ge [sflag:s23], $0x1400  }
.Ltmp1:
0x47: {  	[sflag:s23] =	ssyncset.done $0x0;
	(pc) =	sbr.rel @p0 .LBB2_4-.Ltmp1, $4  }
0x48: {  	s26 =	sadd.s32 $0x4E20, s28;
	[sflag:s23] =	ssyncadd.s32 $0xFFFFEC00  }
0x49: {  	[spmem:s3] =	stream.indirect.scatter.add.f32 [tilespmem:s22], [sflag:$0x2], $0x40, s26, s21, $0xb8;
	[tilespmem:$0x17040] =	vst v63  }
0x4a: {  	_ =	swait.ge [sflag:s19], $0x1400  }
0x4b: {  	s26 =	smov.u32 s29;
	[sflag:s19] =	ssyncset.done $0x0  }
0x4c: {  	s25 =	sshra.s32 s25, $0x2;
	[sflag:s19] =	ssyncadd.s32 $0xFFFFEC00  }
0x4d: {  	[tilespmem:s22], [sflag:$0x1] =	stream.indirect.gather [hbm4b:s2+s21], $0x40, s25, s21, $0xb8;
	[tilespmem:$0x17040] =	vst v63  }
0x4e: {  	_ =	swait.ge [sflag:s23], $0x1400  }
0x4f: {  	[sflag:s23] =	ssyncset.done $0x0  }
0x50: {  	s25 =	sadd.s32 $0x4E20, s25;
	[sflag:s23] =	ssyncadd.s32 $0xFFFFEC00  }
0x51: {  	[spmem:s3] =	stream.indirect.scatter.add.f32 [tilespmem:s22], [sflag:$0x2], $0x40, s25, s21, $0xb8;
	[tilespmem:$0x17040] =	vst v63  }
0x52: {  	_ =	swait.ge [sflag:s19], $0x1400  }
0x53: {  	[sflag:s19] =	ssyncset.done $0x0  }
0x54: {  	[sflag:s19] =	ssyncadd.s32 $0xFFFFEC00  }
0x55: {  	[bflag:$0x0] =	sbarrier.arrive $0xFFFF  }
0x56: {  	[tilespmem:s18], [sflag:$0x2] =	stream.linear.gather [spmem:s5], $0x2000, $0x38;
	[tilespmem:$0x17040] =	vst v63  }
0x57: {  	_ =	swait.ge [sflag:s19], $0x2000  }
0x58: {  	[sflag:s19] =	ssyncset.done $0x0  }
0x59: {  	[sflag:s19] =	ssyncadd.s32 $0xFFFFE000  }
0x5a: {  	[hbm4b:s12+s4] =	stream.linear.scatter [tilespmem:s18], [sflag:$0x2], $0x2000, $0x38;
	[tilespmem:$0x17040] =	vst v63  }
0x5b: {  	_ =	swait.ge [sflag:s19], $0x2000  }
0x5c: {  	[sflag:s19] =	ssyncset.done $0x0  }
0x5d: {  	[sflag:s19] =	ssyncadd.s32 $0xFFFFE000  }
0x5e: {  	[tilespmem:s18], [sflag:$0x2] =	stream.linear.gather [spmem:s6], $0x2000, $0x38;
	[tilespmem:$0x17040] =	vst v63  }
0x5f: {  	_ =	swait.ge [sflag:s19], $0x2000  }
0x60: {  	[sflag:s19] =	ssyncset.done $0x0  }
0x61: {  	[sflag:s19] =	ssyncadd.s32 $0xFFFFE000  }
0x62: {  	[hbm4b:s13+s4] =	stream.linear.scatter [tilespmem:s18], [sflag:$0x2], $0x2000, $0x38;
	[tilespmem:$0x17040] =	vst v63  }
0x63: {  	_ =	swait.ge [sflag:s19], $0x2000  }
0x64: {  	[sflag:s19] =	ssyncset.done $0x0  }
0x65: {  	[sflag:s19] =	ssyncadd.s32 $0xFFFFE000  }
0x66: {  	[tilespmem:s18], [sflag:$0x2] =	stream.linear.gather [spmem:s7], $0x2000, $0x38;
	[tilespmem:$0x17040] =	vst v63  }
0x67: {  	_ =	swait.ge [sflag:s19], $0x2000  }
0x68: {  	[sflag:s19] =	ssyncset.done $0x0  }
0x69: {  	[sflag:s19] =	ssyncadd.s32 $0xFFFFE000  }
0x6a: {  	[hbm4b:s14+s4] =	stream.linear.scatter [tilespmem:s18], [sflag:$0x2], $0x2000, $0x38;
	[tilespmem:$0x17040] =	vst v63  }
0x6b: {  	_ =	swait.ge [sflag:s19], $0x2000  }
0x6c: {  	[sflag:s19] =	ssyncset.done $0x0  }
0x6d: {  	[sflag:s19] =	ssyncadd.s32 $0xFFFFE000  }
0x6e: {  	[tilespmem:s18], [sflag:$0x2] =	stream.linear.gather [spmem:s8], $0x2000, $0x38;
	[tilespmem:$0x17040] =	vst v63  }
0x6f: {  	_ =	swait.ge [sflag:s19], $0x2000  }
0x70: {  	[sflag:s19] =	ssyncset.done $0x0  }
0x71: {  	[sflag:s19] =	ssyncadd.s32 $0xFFFFE000  }
0x72: {  	[hbm4b:s15+s4] =	stream.linear.scatter [tilespmem:s18], [sflag:$0x2], $0x2000, $0x38;
	[tilespmem:$0x17040] =	vst v63  }
0x73: {  	_ =	swait.ge [sflag:s19], $0x2000  }
0x74: {  	[sflag:s19] =	ssyncset.done $0x0  }
0x75: {  	[sflag:s19] =	ssyncadd.s32 $0xFFFFE000  }
0x76: {  	[tilespmem:s18], [sflag:$0x2] =	stream.linear.gather [spmem:s9], $0x2000, $0x38;
	[tilespmem:$0x17040] =	vst v63  }
0x77: {  	s24 =	sadd.s32 $0x1, s24;
	_ =	swait.ge [sflag:s19], $0x2000  }
0x78: {  	p0 =	sne.s32 s24, s17;
	[sflag:s19] =	ssyncset.done $0x0  }
.Ltmp2:
0x79: {  	[sflag:s19] =	ssyncadd.s32 $0xFFFFE000;
	(pc) =	sbr.rel @p0 .LBB2_1-.Ltmp2, $4  }
0x7a: {  	[hbm4b:s16+s4] =	stream.linear.scatter [tilespmem:s18], [sflag:$0x2], $0x2000, $0x38;
	[tilespmem:$0x17040] =	vst v63  }
0x7b: {  	_ =	swait.ge [sflag:s19], $0x2000  }
0x7c: {  	[sflag:s19] =	ssyncset.done $0x0  }
0x7d: {  	[sflag:s19] =	ssyncadd.s32 $0xFFFFE000  }
0x7e: {  	_ =	sfence.sel $0x180000  }
0x7f: {  	[bflag:$0x0] =	sbarrier.arrive $0xFFFF  }
0x80: {  	p0 =	sne.s32 s0, $0x0;
	_ =	strace $0x9000004A  }
0x81: {  	s0 =	sadd.s32 @!p0 $0x100000, s1;
	[bflag:$0x2] =	sbarrier.arrive $0xFFFF  }
0x82: {  	[sflag:s0] =	ssyncadd.tile.s32 @!p0 $0x1;
	_ =	shalt  }
.Lfunc_end2:
_tile_overlayer_lowered:
.L_overlay_start_2:
0x83: {  	(tag) =	ssettag $0x2  }
0x84: {  	s0 =	rddreg [dreg:$0x0];
	s2 =	stileid.u32  }
0x85: {  	s1 =	rddreg [dreg:$0x1];
	p0 =	sne.s32 s2, $0x0  }
0x86: {  	s3 =	rddreg [dreg:$0x2];
	[bflag:$0x3] =	sbarrier.arrive $0xFFFF;
	s2 =	simm.s32 @!p0 $0x1C02  }
0x87: {  	[timem:s3], [sflag:s2] =	dma.local @!p0 [hbm:s0], s1  }
0x88: {  	s0 =	simm.s32 @!p0 $0x2  }
0x89: {  	_ =	swait.ge @!p0 [sflag:s0], s1  }
0x8a: {  	s1 =	ssub.s32 @!p0 $0x0, s1;
	[sflag:s0] =	ssyncset.done @!p0 $0x0  }
0x8b: {  	[sflag:s0] =	ssyncadd.s32 @!p0 s1  }
0x8c: {  	[bflag:$0x3] =	sbarrier.arrive $0xFFFF  }
0x8d: {  	_ =	shalt  }

</sc_bundles>
